<compile_context>
chip_gen: v7x
topology: tpu7x:2x2x1
jax: 0.10.2.dev20260603
libtpu: 0.0.44.dev20260713+nightly
codegen_flags: <defaults>
</compile_context>

<pallas_src>
import functools

import jax
import jax.numpy as jnp
from jax import lax
from jax.experimental import pallas as pl
from jax.experimental.pallas import tpu as pltpu
from jax.experimental.pallas import tpu_sc as plsc

NC = 2
NS = 16
L = 16
G = 5376


NBLK = 1280
FB = 8


def _make_front_body(T):
    def body(x_ref, w_ref, att_ref, h_ref, aa_ref):
        w = w_ref[...]
        for t in range(T):
            xb = x_ref[0, t]
            hT = lax.dot_general(w, xb, (((0,), (1,)), ((), ())),
                                 preferred_element_type=jnp.float32)
            h_ref[0, t] = hT
            aa_ref[0, t] = jnp.dot(att_ref[...], hT)
    return body


def _densum_body(den_ref, out_ref):
    out_ref[0, :, 0, :] = jnp.sum(den_ref[0], axis=1) + 1e-16


def _final_body(num_ref, den_ref, bias_ref, out_ref):
    numT = jnp.transpose(num_ref[0, 0], (1, 0))
    den = jnp.transpose(den_ref[0, 0], (1, 0))
    out_ref[0, 0] = numT / den + bias_ref[...]


def _make_sc_kernel(BT, N, F, E1, EP):
    SH = max(1, (N - 1).bit_length())
    MK = (1 << SH) - 1
    FS = F // (NC * NS)
    EPT = EP // NS
    KA = EPT // G
    CB = EP // G
    GG = G // L
    NL = N // L

    mesh = plsc.VectorSubcoreMesh(core_axis_name="c", subcore_axis_name="s",
                                  num_cores=NC, num_subcores=NS)

    def body(sd_hbm, h_hbm, aa_hbm, num_hbm, den_hbm,
             sd_v, p_v, sd2_v, p2_v, h_v, num_v, red_v,
             sem0, sem1, s_sd, s_p):
        c = lax.axis_index("c")
        s = lax.axis_index("s")
        fbase = (c * NS + s) * FS
        OAS, OAD, ODEN = 0, N, 2 * N

        pltpu.sync_copy(sd_hbm.at[pl.ds(s * EPT, EPT)],
                        s_sd.at[pl.ds(s * EPT, EPT)])
        zz = jnp.zeros((L,), jnp.float32)
        plsc.subcore_barrier()

        def pass_body(bt, carry):
          with jax.named_scope("prep"):
            pltpu.sync_copy(aa_hbm.at[bt], h_v.at[pl.ds(OAS, 2 * N)])

            def maxstep(i, m):
                ms, md = m
                return (jnp.maximum(ms, h_v[pl.ds(OAS + i * L, L)]),
                        jnp.maximum(md, h_v[pl.ds(OAD + i * L, L)]))
            neg = jnp.full((L,), -jnp.inf, jnp.float32)
            ms, md = lax.fori_loop(0, NL, maxstep, (neg, neg), unroll=8)

            iot = lax.iota(jnp.int32, 16)
            def lane_allmax(v):
                for k in (1, 2, 4, 8):
                    red_v[...] = v
                    v = jnp.maximum(v, plsc.load_gather(red_v, [iot ^ k]))
                return v
            mstar = lane_allmax(ms) + lane_allmax(md)

            def zden(i, _):
                h_v[pl.ds(ODEN + i * L, L)] = zz
                return 0
            lax.fori_loop(0, NL, zden, 0, unroll=8)

          with jax.named_scope("phaseA"):
            def pa_chunk(k, _):
                off = s * EPT + k * G
                pltpu.sync_copy(s_sd.at[pl.ds(off, G)], sd_v)

                @plsc.parallel_loop(0, GG, unroll=2)
                def pa_group(g):
                    sd = sd_v[pl.ds(g * L, L)]
                    si = lax.shift_right_logical(sd, SH)
                    di = jnp.bitwise_and(sd, MK)
                    z = (plsc.load_gather(h_v, [si])
                         + plsc.load_gather(h_v, [di + OAD]))
                    e = jnp.where(z >= 0, z, 0.2 * z)
                    gid = off + g * L + iot
                    p = jnp.where(gid < E1, jnp.exp(e - mstar), 0.0)
                    p_v[pl.ds(g * L, L)] = p
                    plsc.addupdate_scatter(h_v, [di + ODEN], p)
                pltpu.sync_copy(p_v, s_p.at[pl.ds(off, G)])
                return 0
            lax.fori_loop(0, KA, pa_chunk, 0)

          with jax.named_scope("hstage"):
            @pl.when(c == 0)
            def _():
                pltpu.sync_copy(h_v.at[pl.ds(ODEN, N)], den_hbm.at[bt, s])

            pltpu.sync_copy(h_hbm.at[bt, pl.ds(fbase * N, FS * N)], h_v)
            def znum(i, _):
                num_v[pl.ds(i * L, L)] = zz
                return 0
            lax.fori_loop(0, FS * NL, znum, 0, unroll=8)

          with jax.named_scope("phaseB"):
            plsc.subcore_barrier()

            def issue_b(k, bufs):
                off = k * G
                sv, pv, sem = bufs
                pltpu.async_copy(s_sd.at[pl.ds(off, G)], sv, sem)
                pltpu.async_copy(s_p.at[pl.ds(off, G)], pv, sem)

            def wait_b(bufs):
                sv, pv, sem = bufs
                pltpu.make_async_copy(s_sd.at[pl.ds(0, G)], sv, sem).wait()
                pltpu.make_async_copy(s_p.at[pl.ds(0, G)], pv, sem).wait()

            ring = ((sd_v, p_v, sem0), (sd2_v, p2_v, sem1))
            issue_b(0, ring[0])

            def pb_outer(i, _):
                for b in range(2):
                    k = i * 2 + b
                    @pl.when(k + 1 < CB)
                    def _():
                        issue_b(k + 1, ring[1 - b])
                    wait_b(ring[b])
                    sv, pv, _sem = ring[b]

                    @plsc.parallel_loop(0, GG, unroll=2)
                    def pb_group(g):
                        sd = sv[pl.ds(g * L, L)]
                        si = lax.shift_right_logical(sd, SH)
                        di = jnp.bitwise_and(sd, MK)
                        pp = pv[pl.ds(g * L, L)]
                        for j in range(FS):
                            hv = plsc.load_gather(h_v, [si + j * N])
                            plsc.addupdate_scatter(num_v, [di + j * N], hv * pp)
                return 0
            lax.fori_loop(0, CB // 2, pb_outer, 0)

          with jax.named_scope("numout"):
            pltpu.sync_copy(num_v, num_hbm.at[bt, pl.ds(fbase * N, FS * N)])
            plsc.subcore_barrier()
          return carry
        lax.fori_loop(0, BT, pass_body, 0)

    return pl.kernel(
        body,
        out_type=[
            jax.ShapeDtypeStruct((BT, F * N), jnp.float32),
            jax.ShapeDtypeStruct((BT, NS, N), jnp.float32),
        ],
        mesh=mesh,
        compiler_params=pltpu.CompilerParams(needs_layout_passes=False,
                                             use_tc_tiling_on_sc=False),
        scratch_types=[
            pltpu.VMEM((G,), jnp.int32),
            pltpu.VMEM((G,), jnp.float32),
            pltpu.VMEM((G,), jnp.int32),
            pltpu.VMEM((G,), jnp.float32),
            pltpu.VMEM((FS * N,), jnp.float32),
            pltpu.VMEM((FS * N,), jnp.float32),
            pltpu.VMEM((L,), jnp.float32),
            pltpu.SemaphoreType.DMA,
            pltpu.SemaphoreType.DMA,
            pltpu.VMEM_SHARED((EP,), jnp.int32),
            pltpu.VMEM_SHARED((EP,), jnp.float32),
        ],
    )


def kernel(x, edge_index, W, att_src, att_dst, bias):
    B, C, T, N = x.shape
    F = W.shape[1]
    E = edge_index.shape[1]
    BT = B * T
    E1 = E + N
    step = NS * G
    EP = ((E1 + step - 1) // step) * step

    loops = jnp.arange(N, dtype=edge_index.dtype)
    pad = jnp.zeros((EP - E1,), edge_index.dtype)
    src = jnp.concatenate([edge_index[0], loops, pad])
    dst = jnp.concatenate([edge_index[1], loops, pad])
    sd = jnp.bitwise_or(jnp.left_shift(src, max(1, (N - 1).bit_length())), dst)

    NB = (N + NBLK - 1) // NBLK
    hT, aa = pl.pallas_call(
        _make_front_body(T),
        grid=(B, NB),
        in_specs=[
            pl.BlockSpec((1, T, NBLK, C), lambda b, j: (b, 0, j, 0)),
            pl.BlockSpec((C, F), lambda b, j: (0, 0)),
            pl.BlockSpec((2, F), lambda b, j: (0, 0)),
        ],
        out_specs=[
            pl.BlockSpec((1, T, F, NBLK), lambda b, j: (b, 0, 0, j)),
            pl.BlockSpec((1, T, 2, NBLK), lambda b, j: (b, 0, 0, j)),
        ],
        out_shape=[
            jax.ShapeDtypeStruct((B, T, F, N), jnp.float32),
            jax.ShapeDtypeStruct((B, T, 2, N), jnp.float32),
        ],
    )(jnp.transpose(x, (0, 2, 3, 1)), W, jnp.stack([att_src, att_dst]))

    num, den = _make_sc_kernel(BT, N, F, E1, EP)(
        sd,
        hT.reshape(BT, F * N),
        aa.reshape(BT, 2 * N),
    )

    densum = pl.pallas_call(
        _densum_body,
        grid=(B,),
        in_specs=[pl.BlockSpec((1, T, NS, N), lambda b: (b, 0, 0, 0))],
        out_specs=pl.BlockSpec((1, T, 1, N), lambda b: (b, 0, 0, 0)),
        out_shape=jax.ShapeDtypeStruct((B, T, 1, N), jnp.float32),
    )(den.reshape(B, T, NS, N))

    out2 = pl.pallas_call(
        _final_body,
        grid=(B, T),
        in_specs=[
            pl.BlockSpec((1, 1, F, N), lambda b, t: (b, t, 0, 0)),
            pl.BlockSpec((1, 1, 1, N), lambda b, t: (b, t, 0, 0)),
            pl.BlockSpec((1, F), lambda b, t: (0, 0)),
        ],
        out_specs=pl.BlockSpec((1, 1, N, F), lambda b, t: (b, t, 0, 0)),
        out_shape=jax.ShapeDtypeStruct((B, T, N, F), jnp.float32),
    )(num.reshape(B, T, F, N), densum.reshape(B, T, 1, N), bias.reshape(1, F))

    return jnp.transpose(out2.reshape(B, T, N, F), (0, 3, 1, 2))

# --- scband reference (transcript-rebuilt; emitter-appended) ---
"""Pipeline reference for scband-nconv-gat-36292473651930 (READ-ONLY COPY).

The authoritative reference and input builder live on the scoring server;
editing this copy changes nothing except your own understanding.
"""

import jax, jax.numpy as jnp
import numpy as np

B, C, T, N = 2, 128, 12, 10000
E = 160000
F = 128

def setup_inputs(seed: int = 0) -> dict:
    key = jax.random.key(seed)
    k1, k2, k3, k4, k5, k6 = jax.random.split(key, 6)
    x = jax.random.normal(k1, (B, C, T, N), dtype=jnp.float32)
    edge_index = jax.random.randint(k2, (2, E), 0, N, dtype=jnp.int32)
    W = jax.random.normal(k3, (C, F), dtype=jnp.float32) * 0.05
    att_src = jax.random.normal(k4, (F,), dtype=jnp.float32) * 0.05
    att_dst = jax.random.normal(k5, (F,), dtype=jnp.float32) * 0.05
    bias = jax.random.normal(k6, (F,), dtype=jnp.float32) * 0.05
    return {"x": x, "edge_index": edge_index, "W": W, "att_src": att_src, "att_dst": att_dst, "bias": bias}

def reference(x, edge_index, W, att_src, att_dst, bias):
    Bb, Cc, Tt, Nn = x.shape
    # permute + reshape: [B, C, T, N] -> [B*T, N, C]
    xr = jnp.transpose(x, (0, 2, 3, 1)).reshape(Bb * Tt, Nn, Cc)
    # GATConv default add_self_loops=True
    loops = jnp.arange(Nn, dtype=edge_index.dtype)
    src = jnp.concatenate([edge_index[0], loops])
    dst = jnp.concatenate([edge_index[1], loops])

    def gat(xt):
        h = xt @ W                              # [N, F] (heads=1)
        a_s = (h * att_src).sum(-1)             # [N]
        a_d = (h * att_dst).sum(-1)             # [N]
        e = jax.nn.leaky_relu(a_s[src] + a_d[dst], 0.2)   # [E+N]
        m = jax.ops.segment_max(e, dst, num_segments=Nn)
        ex = jnp.exp(e - m[dst])
        den = jax.ops.segment_sum(ex, dst, num_segments=Nn)
        alpha = ex / (den[dst] + 1e-16)          # softmax over incoming edges
        out = jax.ops.segment_sum(alpha[:, None] * h[src], dst, num_segments=Nn)
        return out + bias                        # concat=False, heads=1 -> mean is identity

    out = jax.lax.map(gat, xr)                   # [B*T, N, F]
    out = out.reshape(Bb, Tt, Nn, -1)
    return jnp.transpose(out, (0, 3, 1, 2))      # [B, F, T, N]

if __name__ == "__main__":
    import jax
    _d = setup_inputs()
    print(jax.jit(kernel)(*tuple(_d.values())))

</pallas_src>

<mosaic_0001>
#map = affine_map<(d0, d1) -> (0)>
#map1 = affine_map<(d0, d1) -> (0, 0)>
#map2 = affine_map<(d0, d1) -> (0, 0, 0)>
module attributes {stable_mosaic.version = 14 : i64} {
  func.func @body(%arg0: i32, %arg1: i32, %arg2: memref<172032xi32, #tpu.memory_space<hbm>>, %arg3: memref<24x1280000xf32, #tpu.memory_space<hbm>>, %arg4: memref<24x20000xf32, #tpu.memory_space<hbm>>, %arg5: memref<24x1280000xf32, #tpu.memory_space<hbm>>, %arg6: memref<24x16x10000xf32, #tpu.memory_space<hbm>>, %arg7: memref<5376xi32, #tpu.memory_space<vmem>>, %arg8: memref<5376xf32, #tpu.memory_space<vmem>>, %arg9: memref<5376xi32, #tpu.memory_space<vmem>>, %arg10: memref<5376xf32, #tpu.memory_space<vmem>>, %arg11: memref<40000xf32, #tpu.memory_space<vmem>>, %arg12: memref<40000xf32, #tpu.memory_space<vmem>>, %arg13: memref<16xf32, #tpu.memory_space<vmem>>, %arg14: memref<!tpu.dma_semaphore, #tpu.memory_space<semaphore_mem>>, %arg15: memref<!tpu.dma_semaphore, #tpu.memory_space<semaphore_mem>>, %arg16: memref<172032xi32, #tpu.memory_space<vmem_shared>>, %arg17: memref<172032xf32, #tpu.memory_space<vmem_shared>>) attributes {dimension_semantics = [#tpu.dimension_semantics<core_parallel>, #tpu.dimension_semantics<subcore_parallel>], iteration_bounds = array<i64: 2, 16>, scalar_prefetch = 0 : i64, scratch_operands = 11 : i64, tpu.core_type = #tpu.core_type<sc_vector_subcore>, window_params = [{transform_indices = #map}, {transform_indices = #map1}, {transform_indices = #map1}, {transform_indices = #map1}, {transform_indices = #map2}]} {
    %mul3A = arith.constant 16 : i32
    %mul3A_0 = arith.muli %arg0, %mul3A : i32
    %add3A = arith.addi %mul3A_0, %arg1 : i32
    %mul3A_1 = arith.constant 4 : i32
    %mul3A_2 = arith.muli %add3A, %mul3A_1 : i32
    %mul3A_3 = arith.constant 10752 : i32
    %mul3A_4 = arith.muli %arg1, %mul3A_3 : i32
    %mul3A_5 = arith.constant 10752 : i32
    %mul3A_6 = arith.muli %arg1, %mul3A_5 : i32
    "tpu.region"() ({
      %run_scoped3A = tpu.sem_alloc : memref<!tpu.dma_semaphore, #tpu.memory_space<semaphore_mem>>
      %dma_start3A = tpu.memref_slice %arg16[%mul3A_6] : memref<172032xi32, #tpu.memory_space<vmem_shared>> -> memref<10752xi32, #tpu.memory_space<vmem_shared>>
      %dma_start3A_13 = tpu.memref_slice %arg2[%mul3A_4] : memref<172032xi32, #tpu.memory_space<hbm>> -> memref<10752xi32, #tpu.memory_space<hbm>>
      tpu.enqueue_dma source(%dma_start3A_13 : memref<10752xi32, #tpu.memory_space<hbm>>) target(%dma_start3A : memref<10752xi32, #tpu.memory_space<vmem_shared>>) target_semaphore(%run_scoped3A : memref<!tpu.dma_semaphore, #tpu.memory_space<semaphore_mem>>)
      %dma_wait3A = tpu.memref_slice %arg16[%mul3A_6] : memref<172032xi32, #tpu.memory_space<vmem_shared>> -> memref<10752xi32, #tpu.memory_space<vmem_shared>>
      %dma_wait3A_14 = tpu.memref_slice %arg2[%mul3A_4] : memref<172032xi32, #tpu.memory_space<hbm>> -> memref<10752xi32, #tpu.memory_space<hbm>>
      tpu.wait_dma2 semaphore(%run_scoped3A : memref<!tpu.dma_semaphore, #tpu.memory_space<semaphore_mem>>) src(%dma_wait3A_14 : memref<10752xi32, #tpu.memory_space<hbm>>) dst(%dma_wait3A : memref<10752xi32, #tpu.memory_space<vmem_shared>>)
      tpu.yield
    }) : () -> ()
    %broadcast_in_dim3A = arith.constant 0.000000e+00 : f32
    %broadcast_in_dim3A_7 = vector.broadcast %broadcast_in_dim3A : f32 to vector<16xf32>
    %barrier3A = arith.constant 0 : index
    tpu.barrier barrier_id(%barrier3A)
    %scan3A = arith.constant 0 : i32
    %scan3A_8 = arith.constant 0 : i32
    %scan3A_9 = arith.constant 24 : i32
    %scan3A_10 = arith.addi %scan3A_8, %scan3A_9 : i32
    %scan3A_11 = arith.constant 1 : i32
    scf.for %scan3A_13 = %scan3A_8 to %scan3A_10 step %scan3A_11  : i32 {
      "tpu.trace_start"() <{level = 10 : i32, message = "prep"}> : () -> ()
      "tpu.region"() ({
        %run_scoped3A = tpu.sem_alloc : memref<!tpu.dma_semaphore, #tpu.memory_space<semaphore_mem>>
        %dma_start3A_170 = arith.constant 0 : i32
        %dma_start3A_171 = tpu.memref_slice %arg11[%dma_start3A_170] : memref<40000xf32, #tpu.memory_space<vmem>> -> memref<20000xf32, #tpu.memory_space<vmem>>
        %dma_start3A_172 = arith.constant 0 : i32
        %dma_start3A_173 = tpu.memref_slice %arg4[%scan3A_13, %dma_start3A_172] : memref<24x20000xf32, #tpu.memory_space<hbm>> -> memref<1x20000xf32, #tpu.memory_space<hbm>>
        %dma_start3A_174 = tpu.memref_squeeze %dma_start3A_173 : memref<1x20000xf32, #tpu.memory_space<hbm>> -> memref<20000xf32, #tpu.memory_space<hbm>>
        %dma_start3A_175 = arith.constant 0 : i32
        %dma_start3A_176 = tpu.memref_slice %arg11[%dma_start3A_175] : memref<40000xf32, #tpu.memory_space<vmem>> -> memref<20000xf32, #tpu.memory_space<vmem>>
        %dma_start3A_177 = arith.constant 0 : i32
        %dma_start3A_178 = tpu.memref_slice %arg4[%scan3A_13, %dma_start3A_177] : memref<24x20000xf32, #tpu.memory_space<hbm>> -> memref<1x20000xf32, #tpu.memory_space<hbm>>
        %dma_start3A_179 = tpu.memref_squeeze %dma_start3A_178 : memref<1x20000xf32, #tpu.memory_space<hbm>> -> memref<20000xf32, #tpu.memory_space<hbm>>
        tpu.enqueue_dma source(%dma_start3A_179 : memref<20000xf32, #tpu.memory_space<hbm>>) target(%dma_start3A_176 : memref<20000xf32, #tpu.memory_space<vmem>>) target_semaphore(%run_scoped3A : memref<!tpu.dma_semaphore, #tpu.memory_space<semaphore_mem>>)
        %dma_wait3A = arith.constant 0 : i32
        %dma_wait3A_180 = tpu.memref_slice %arg11[%dma_wait3A] : memref<40000xf32, #tpu.memory_space<vmem>> -> memref<20000xf32, #tpu.memory_space<vmem>>
        %dma_wait3A_181 = arith.constant 0 : i32
        %dma_wait3A_182 = tpu.memref_slice %arg4[%scan3A_13, %dma_wait3A_181] : memref<24x20000xf32, #tpu.memory_space<hbm>> -> memref<1x20000xf32, #tpu.memory_space<hbm>>
        %dma_wait3A_183 = tpu.memref_squeeze %dma_wait3A_182 : memref<1x20000xf32, #tpu.memory_space<hbm>> -> memref<20000xf32, #tpu.memory_space<hbm>>
        %dma_wait3A_184 = arith.constant 0 : i32
        %dma_wait3A_185 = tpu.memref_slice %arg11[%dma_wait3A_184] : memref<40000xf32, #tpu.memory_space<vmem>> -> memref<20000xf32, #tpu.memory_space<vmem>>
        %dma_wait3A_186 = arith.constant 0 : i32
        %dma_wait3A_187 = tpu.memref_slice %arg4[%scan3A_13, %dma_wait3A_186] : memref<24x20000xf32, #tpu.memory_space<hbm>> -> memref<1x20000xf32, #tpu.memory_space<hbm>>
        %dma_wait3A_188 = tpu.memref_squeeze %dma_wait3A_187 : memref<1x20000xf32, #tpu.memory_space<hbm>> -> memref<20000xf32, #tpu.memory_space<hbm>>
        tpu.wait_dma2 semaphore(%run_scoped3A : memref<!tpu.dma_semaphore, #tpu.memory_space<semaphore_mem>>) src(%dma_wait3A_188 : memref<20000xf32, #tpu.memory_space<hbm>>) dst(%dma_wait3A_185 : memref<20000xf32, #tpu.memory_space<vmem>>)
        tpu.yield
      }) : () -> ()
      %broadcast_in_dim3A_14 = arith.constant 0xFF800000 : f32
      %broadcast_in_dim3A_15 = vector.broadcast %broadcast_in_dim3A_14 : f32 to vector<16xf32>
      %scan3A_16 = arith.constant 0 : i32
      %scan3A_17 = arith.constant 624 : i32
      %scan3A_18 = arith.addi %scan3A_16, %scan3A_17 : i32
      %scan3A_19 = arith.constant 8 : i32
      %scan3A_20:2 = scf.for %scan3A_170 = %scan3A_16 to %scan3A_18 step %scan3A_19 iter_args(%scan3A_171 = %broadcast_in_dim3A_15, %scan3A_172 = %broadcast_in_dim3A_15) -> (vector<16xf32>, vector<16xf32>)  : i32 {
        %mul3A_173 = arith.constant 16 : i32
        %mul3A_174 = arith.muli %scan3A_170, %mul3A_173 : i32
        %add3A_175 = arith.constant 0 : i32
        %add3A_176 = arith.addi %add3A_175, %mul3A_174 : i32
        %get3A_177 = arith.index_cast %add3A_176 : i32 to index
        %get3A_178 = tpu.vector_load %arg11[%get3A_177] {strides = array<i32>} : memref<40000xf32, #tpu.memory_space<vmem>>, vector<16xf32>,
        %max3A_179 = arith.maximumf %scan3A_171, %get3A_178 : vector<16xf32>
        %mul3A_180 = arith.constant 16 : i32
        %mul3A_181 = arith.muli %scan3A_170, %mul3A_180 : i32
        %add3A_182 = arith.constant 10000 : i32
        %add3A_183 = arith.addi %add3A_182, %mul3A_181 : i32
        %get3A_184 = arith.index_cast %add3A_183 : i32 to index
        %get3A_185 = tpu.vector_load %arg11[%get3A_184] {strides = array<i32>} : memref<40000xf32, #tpu.memory_space<vmem>>, vector<16xf32>,
        %max3A_186 = arith.maximumf %scan3A_172, %get3A_185 : vector<16xf32>
        %scan3A_187 = arith.constant 1 : i32
        %scan3A_188 = arith.addi %scan3A_170, %scan3A_187 : i32
        %mul3A_189 = arith.constant 16 : i32
        %mul3A_190 = arith.muli %scan3A_188, %mul3A_189 : i32
        %add3A_191 = arith.constant 0 : i32
        %add3A_192 = arith.addi %add3A_191, %mul3A_190 : i32
        %get3A_193 = arith.index_cast %add3A_192 : i32 to index
        %get3A_194 = tpu.vector_load %arg11[%get3A_193] {strides = array<i32>} : memref<40000xf32, #tpu.memory_space<vmem>>, vector<16xf32>,
        %max3A_195 = arith.maximumf %max3A_179, %get3A_194 : vector<16xf32>
        %mul3A_196 = arith.constant 16 : i32
        %mul3A_197 = arith.muli %scan3A_188, %mul3A_196 : i32
        %add3A_198 = arith.constant 10000 : i32
        %add3A_199 = arith.addi %add3A_198, %mul3A_197 : i32
        %get3A_200 = arith.index_cast %add3A_199 : i32 to index
        %get3A_201 = tpu.vector_load %arg11[%get3A_200] {strides = array<i32>} : memref<40000xf32, #tpu.memory_space<vmem>>, vector<16xf32>,
        %max3A_202 = arith.maximumf %max3A_186, %get3A_201 : vector<16xf32>
        %scan3A_203 = arith.constant 2 : i32
        %scan3A_204 = arith.addi %scan3A_170, %scan3A_203 : i32
        %mul3A_205 = arith.constant 16 : i32
        %mul3A_206 = arith.muli %scan3A_204, %mul3A_205 : i32
        %add3A_207 = arith.constant 0 : i32
        %add3A_208 = arith.addi %add3A_207, %mul3A_206 : i32
        %get3A_209 = arith.index_cast %add3A_208 : i32 to index
        %get3A_210 = tpu.vector_load %arg11[%get3A_209] {strides = array<i32>} : memref<40000xf32, #tpu.memory_space<vmem>>, vector<16xf32>,
        %max3A_211 = arith.maximumf %max3A_195, %get3A_210 : vector<16xf32>
        %mul3A_212 = arith.constant 16 : i32
        %mul3A_213 = arith.muli %scan3A_204, %mul3A_212 : i32
        %add3A_214 = arith.constant 10000 : i32
        %add3A_215 = arith.addi %add3A_214, %mul3A_213 : i32
        %get3A_216 = arith.index_cast %add3A_215 : i32 to index
        %get3A_217 = tpu.vector_load %arg11[%get3A_216] {strides = array<i32>} : memref<40000xf32, #tpu.memory_space<vmem>>, vector<16xf32>,
        %max3A_218 = arith.maximumf %max3A_202, %get3A_217 : vector<16xf32>
        %scan3A_219 = arith.constant 3 : i32
        %scan3A_220 = arith.addi %scan3A_170, %scan3A_219 : i32
        %mul3A_221 = arith.constant 16 : i32
        %mul3A_222 = arith.muli %scan3A_220, %mul3A_221 : i32
        %add3A_223 = arith.constant 0 : i32
        %add3A_224 = arith.addi %add3A_223, %mul3A_222 : i32
        %get3A_225 = arith.index_cast %add3A_224 : i32 to index
        %get3A_226 = tpu.vector_load %arg11[%get3A_225] {strides = array<i32>} : memref<40000xf32, #tpu.memory_space<vmem>>, vector<16xf32>,
        %max3A_227 = arith.maximumf %max3A_211, %get3A_226 : vector<16xf32>
        %mul3A_228 = arith.constant 16 : i32
        %mul3A_229 = arith.muli %scan3A_220, %mul3A_228 : i32
        %add3A_230 = arith.constant 10000 : i32
        %add3A_231 = arith.addi %add3A_230, %mul3A_229 : i32
        %get3A_232 = arith.index_cast %add3A_231 : i32 to index
        %get3A_233 = tpu.vector_load %arg11[%get3A_232] {strides = array<i32>} : memref<40000xf32, #tpu.memory_space<vmem>>, vector<16xf32>,
        %max3A_234 = arith.maximumf %max3A_218, %get3A_233 : vector<16xf32>
        %scan3A_235 = arith.constant 4 : i32
        %scan3A_236 = arith.addi %scan3A_170, %scan3A_235 : i32
        %mul3A_237 = arith.constant 16 : i32
        %mul3A_238 = arith.muli %scan3A_236, %mul3A_237 : i32
        %add3A_239 = arith.constant 0 : i32
        %add3A_240 = arith.addi %add3A_239, %mul3A_238 : i32
        %get3A_241 = arith.index_cast %add3A_240 : i32 to index
        %get3A_242 = tpu.vector_load %arg11[%get3A_241] {strides = array<i32>} : memref<40000xf32, #tpu.memory_space<vmem>>, vector<16xf32>,
        %max3A_243 = arith.maximumf %max3A_227, %get3A_242 : vector<16xf32>
        %mul3A_244 = arith.constant 16 : i32
        %mul3A_245 = arith.muli %scan3A_236, %mul3A_244 : i32
        %add3A_246 = arith.constant 10000 : i32
        %add3A_247 = arith.addi %add3A_246, %mul3A_245 : i32
        %get3A_248 = arith.index_cast %add3A_247 : i32 to index
        %get3A_249 = tpu.vector_load %arg11[%get3A_248] {strides = array<i32>} : memref<40000xf32, #tpu.memory_space<vmem>>, vector<16xf32>,
        %max3A_250 = arith.maximumf %max3A_234, %get3A_249 : vector<16xf32>
        %scan3A_251 = arith.constant 5 : i32
        %scan3A_252 = arith.addi %scan3A_170, %scan3A_251 : i32
        %mul3A_253 = arith.constant 16 : i32
        %mul3A_254 = arith.muli %scan3A_252, %mul3A_253 : i32
        %add3A_255 = arith.constant 0 : i32
        %add3A_256 = arith.addi %add3A_255, %mul3A_254 : i32
        %get3A_257 = arith.index_cast %add3A_256 : i32 to index
        %get3A_258 = tpu.vector_load %arg11[%get3A_257] {strides = array<i32>} : memref<40000xf32, #tpu.memory_space<vmem>>, vector<16xf32>,
        %max3A_259 = arith.maximumf %max3A_243, %get3A_258 : vector<16xf32>
        %mul3A_260 = arith.constant 16 : i32
        %mul3A_261 = arith.muli %scan3A_252, %mul3A_260 : i32
        %add3A_262 = arith.constant 10000 : i32
        %add3A_263 = arith.addi %add3A_262, %mul3A_261 : i32
        %get3A_264 = arith.index_cast %add3A_263 : i32 to index
        %get3A_265 = tpu.vector_load %arg11[%get3A_264] {strides = array<i32>} : memref<40000xf32, #tpu.memory_space<vmem>>, vector<16xf32>,
        %max3A_266 = arith.maximumf %max3A_250, %get3A_265 : vector<16xf32>
        %scan3A_267 = arith.constant 6 : i32
        %scan3A_268 = arith.addi %scan3A_170, %scan3A_267 : i32
        %mul3A_269 = arith.constant 16 : i32
        %mul3A_270 = arith.muli %scan3A_268, %mul3A_269 : i32
        %add3A_271 = arith.constant 0 : i32
        %add3A_272 = arith.addi %add3A_271, %mul3A_270 : i32
        %get3A_273 = arith.index_cast %add3A_272 : i32 to index
        %get3A_274 = tpu.vector_load %arg11[%get3A_273] {strides = array<i32>} : memref<40000xf32, #tpu.memory_space<vmem>>, vector<16xf32>,
        %max3A_275 = arith.maximumf %max3A_259, %get3A_274 : vector<16xf32>
        %mul3A_276 = arith.constant 16 : i32
        %mul3A_277 = arith.muli %scan3A_268, %mul3A_276 : i32
        %add3A_278 = arith.constant 10000 : i32
        %add3A_279 = arith.addi %add3A_278, %mul3A_277 : i32
        %get3A_280 = arith.index_cast %add3A_279 : i32 to index
        %get3A_281 = tpu.vector_load %arg11[%get3A_280] {strides = array<i32>} : memref<40000xf32, #tpu.memory_space<vmem>>, vector<16xf32>,
        %max3A_282 = arith.maximumf %max3A_266, %get3A_281 : vector<16xf32>
        %scan3A_283 = arith.constant 7 : i32
        %scan3A_284 = arith.addi %scan3A_170, %scan3A_283 : i32
        %mul3A_285 = arith.constant 16 : i32
        %mul3A_286 = arith.muli %scan3A_284, %mul3A_285 : i32
        %add3A_287 = arith.constant 0 : i32
        %add3A_288 = arith.addi %add3A_287, %mul3A_286 : i32
        %get3A_289 = arith.index_cast %add3A_288 : i32 to index
        %get3A_290 = tpu.vector_load %arg11[%get3A_289] {strides = array<i32>} : memref<40000xf32, #tpu.memory_space<vmem>>, vector<16xf32>,
        %max3A_291 = arith.maximumf %max3A_275, %get3A_290 : vector<16xf32>
        %mul3A_292 = arith.constant 16 : i32
        %mul3A_293 = arith.muli %scan3A_284, %mul3A_292 : i32
        %add3A_294 = arith.constant 10000 : i32
        %add3A_295 = arith.addi %add3A_294, %mul3A_293 : i32
        %get3A_296 = arith.index_cast %add3A_295 : i32 to index
        %get3A_297 = tpu.vector_load %arg11[%get3A_296] {strides = array<i32>} : memref<40000xf32, #tpu.memory_space<vmem>>, vector<16xf32>,
        %max3A_298 = arith.maximumf %max3A_282, %get3A_297 : vector<16xf32>
        scf.yield %max3A_291, %max3A_298 : vector<16xf32>, vector<16xf32>
      }
      %scan3A_21 = arith.constant 624 : i32
      %scan3A_22 = arith.addi %scan3A_16, %scan3A_21 : i32
      %mul3A_23 = arith.constant 16 : i32
      %mul3A_24 = arith.muli %scan3A_22, %mul3A_23 : i32
      %add3A_25 = arith.constant 0 : i32
      %add3A_26 = arith.addi %add3A_25, %mul3A_24 : i32
      %get3A = arith.index_cast %add3A_26 : i32 to index
      %get3A_27 = tpu.vector_load %arg11[%get3A] {strides = array<i32>} : memref<40000xf32, #tpu.memory_space<vmem>>, vector<16xf32>,
      %max3A = arith.maximumf %scan3A_20#0, %get3A_27 : vector<16xf32>
      %mul3A_28 = arith.constant 16 : i32
      %mul3A_29 = arith.muli %scan3A_22, %mul3A_28 : i32
      %add3A_30 = arith.constant 10000 : i32
      %add3A_31 = arith.addi %add3A_30, %mul3A_29 : i32
      %get3A_32 = arith.index_cast %add3A_31 : i32 to index
      %get3A_33 = tpu.vector_load %arg11[%get3A_32] {strides = array<i32>} : memref<40000xf32, #tpu.memory_space<vmem>>, vector<16xf32>,
      %max3A_34 = arith.maximumf %scan3A_20#1, %get3A_33 : vector<16xf32>
      %scan3A_35 = arith.constant 625 : i32
      %iota3A = tpu.iota {dimensions = array<i32: 0>} : vector<16xi32>
      %swap3A = arith.constant 0 : index
      %swap3A_36 = tpu.vector_load %arg13[%swap3A] {strides = array<i32>} : memref<16xf32, #tpu.memory_space<vmem>>, vector<16xf32>,
      tpu.vector_store %arg13[%swap3A], %max3A {strides = array<i32>} : memref<16xf32, #tpu.memory_space<vmem>>, vector<16xf32>,
      %xor3A = arith.constant 1 : i32
      %xor3A_37 = vector.broadcast %xor3A : i32 to vector<16xi32>
      %xor3A_38 = arith.xori %iota3A, %xor3A_37 : vector<16xi32>
      %gather3A = tpu.vector_load_idx %arg13[%xor3A_38] : memref<16xf32, #tpu.memory_space<vmem>>[vector<16xi32>], vector<16xf32>,
      %max3A_39 = arith.maximumf %max3A, %gather3A : vector<16xf32>
      %swap3A_40 = arith.constant 0 : index
      %swap3A_41 = tpu.vector_load %arg13[%swap3A_40] {strides = array<i32>} : memref<16xf32, #tpu.memory_space<vmem>>, vector<16xf32>,
      tpu.vector_store %arg13[%swap3A_40], %max3A_39 {strides = array<i32>} : memref<16xf32, #tpu.memory_space<vmem>>, vector<16xf32>,
      %xor3A_42 = arith.constant 2 : i32
      %xor3A_43 = vector.broadcast %xor3A_42 : i32 to vector<16xi32>
      %xor3A_44 = arith.xori %iota3A, %xor3A_43 : vector<16xi32>
      %gather3A_45 = tpu.vector_load_idx %arg13[%xor3A_44] : memref<16xf32, #tpu.memory_space<vmem>>[vector<16xi32>], vector<16xf32>,
      %max3A_46 = arith.maximumf %max3A_39, %gather3A_45 : vector<16xf32>
      %swap3A_47 = arith.constant 0 : index
      %swap3A_48 = tpu.vector_load %arg13[%swap3A_47] {strides = array<i32>} : memref<16xf32, #tpu.memory_space<vmem>>, vector<16xf32>,
      tpu.vector_store %arg13[%swap3A_47], %max3A_46 {strides = array<i32>} : memref<16xf32, #tpu.memory_space<vmem>>, vector<16xf32>,
      %xor3A_49 = arith.constant 4 : i32
      %xor3A_50 = vector.broadcast %xor3A_49 : i32 to vector<16xi32>
      %xor3A_51 = arith.xori %iota3A, %xor3A_50 : vector<16xi32>
      %gather3A_52 = tpu.vector_load_idx %arg13[%xor3A_51] : memref<16xf32, #tpu.memory_space<vmem>>[vector<16xi32>], vector<16xf32>,
      %max3A_53 = arith.maximumf %max3A_46, %gather3A_52 : vector<16xf32>
      %swap3A_54 = arith.constant 0 : index
      %swap3A_55 = tpu.vector_load %arg13[%swap3A_54] {strides = array<i32>} : memref<16xf32, #tpu.memory_space<vmem>>, vector<16xf32>,
      tpu.vector_store %arg13[%swap3A_54], %max3A_53 {strides = array<i32>} : memref<16xf32, #tpu.memory_space<vmem>>, vector<16xf32>,
      %xor3A_56 = arith.constant 8 : i32
      %xor3A_57 = vector.broadcast %xor3A_56 : i32 to vector<16xi32>
      %xor3A_58 = arith.xori %iota3A, %xor3A_57 : vector<16xi32>
      %gather3A_59 = tpu.vector_load_idx %arg13[%xor3A_58] : memref<16xf32, #tpu.memory_space<vmem>>[vector<16xi32>], vector<16xf32>,
      %max3A_60 = arith.maximumf %max3A_53, %gather3A_59 : vector<16xf32>
      %swap3A_61 = arith.constant 0 : index
      %swap3A_62 = tpu.vector_load %arg13[%swap3A_61] {strides = array<i32>} : memref<16xf32, #tpu.memory_space<vmem>>, vector<16xf32>,
      tpu.vector_store %arg13[%swap3A_61], %max3A_34 {strides = array<i32>} : memref<16xf32, #tpu.memory_space<vmem>>, vector<16xf32>,
      %xor3A_63 = arith.constant 1 : i32
      %xor3A_64 = vector.broadcast %xor3A_63 : i32 to vector<16xi32>
      %xor3A_65 = arith.xori %iota3A, %xor3A_64 : vector<16xi32>
      %gather3A_66 = tpu.vector_load_idx %arg13[%xor3A_65] : memref<16xf32, #tpu.memory_space<vmem>>[vector<16xi32>], vector<16xf32>,
      %max3A_67 = arith.maximumf %max3A_34, %gather3A_66 : vector<16xf32>
      %swap3A_68 = arith.constant 0 : index
      %swap3A_69 = tpu.vector_load %arg13[%swap3A_68] {strides = array<i32>} : memref<16xf32, #tpu.memory_space<vmem>>, vector<16xf32>,
      tpu.vector_store %arg13[%swap3A_68], %max3A_67 {strides = array<i32>} : memref<16xf32, #tpu.memory_space<vmem>>, vector<16xf32>,
      %xor3A_70 = arith.constant 2 : i32
      %xor3A_71 = vector.broadcast %xor3A_70 : i32 to vector<16xi32>
      %xor3A_72 = arith.xori %iota3A, %xor3A_71 : vector<16xi32>
      %gather3A_73 = tpu.vector_load_idx %arg13[%xor3A_72] : memref<16xf32, #tpu.memory_space<vmem>>[vector<16xi32>], vector<16xf32>,
      %max3A_74 = arith.maximumf %max3A_67, %gather3A_73 : vector<16xf32>
      %swap3A_75 = arith.constant 0 : index
      %swap3A_76 = tpu.vector_load %arg13[%swap3A_75] {strides = array<i32>} : memref<16xf32, #tpu.memory_space<vmem>>, vector<16xf32>,
      tpu.vector_store %arg13[%swap3A_75], %max3A_74 {strides = array<i32>} : memref<16xf32, #tpu.memory_space<vmem>>, vector<16xf32>,
      %xor3A_77 = arith.constant 4 : i32
      %xor3A_78 = vector.broadcast %xor3A_77 : i32 to vector<16xi32>
      %xor3A_79 = arith.xori %iota3A, %xor3A_78 : vector<16xi32>
      %gather3A_80 = tpu.vector_load_idx %arg13[%xor3A_79] : memref<16xf32, #tpu.memory_space<vmem>>[vector<16xi32>], vector<16xf32>,
      %max3A_81 = arith.maximumf %max3A_74, %gather3A_80 : vector<16xf32>
      %swap3A_82 = arith.constant 0 : index
      %swap3A_83 = tpu.vector_load %arg13[%swap3A_82] {strides = array<i32>} : memref<16xf32, #tpu.memory_space<vmem>>, vector<16xf32>,
      tpu.vector_store %arg13[%swap3A_82], %max3A_81 {strides = array<i32>} : memref<16xf32, #tpu.memory_space<vmem>>, vector<16xf32>,
      %xor3A_84 = arith.constant 8 : i32
      %xor3A_85 = vector.broadcast %xor3A_84 : i32 to vector<16xi32>
      %xor3A_86 = arith.xori %iota3A, %xor3A_85 : vector<16xi32>
      %gather3A_87 = tpu.vector_load_idx %arg13[%xor3A_86] : memref<16xf32, #tpu.memory_space<vmem>>[vector<16xi32>], vector<16xf32>,
      %max3A_88 = arith.maximumf %max3A_81, %gather3A_87 : vector<16xf32>
      %add3A_89 = arith.addf %max3A_60, %max3A_88 : vector<16xf32>
      %scan3A_90 = arith.constant 0 : i32
      %scan3A_91 = arith.constant 0 : i32
      %scan3A_92 = arith.constant 624 : i32
      %scan3A_93 = arith.addi %scan3A_91, %scan3A_92 : i32
      %scan3A_94 = arith.constant 8 : i32
      %scan3A_95 = scf.for %scan3A_170 = %scan3A_91 to %scan3A_93 step %scan3A_94 iter_args(%scan3A_171 = %scan3A_90) -> (i32)  : i32 {
        %mul3A_172 = arith.constant 16 : i32
        %mul3A_173 = arith.muli %scan3A_170, %mul3A_172 : i32
        %add3A_174 = arith.constant 20000 : i32
        %add3A_175 = arith.addi %add3A_174, %mul3A_173 : i32
        %swap3A_176 = arith.index_cast %add3A_175 : i32 to index
        %swap3A_177 = tpu.vector_load %arg11[%swap3A_176] {strides = array<i32>} : memref<40000xf32, #tpu.memory_space<vmem>>, vector<16xf32>,
        tpu.vector_store %arg11[%swap3A_176], %broadcast_in_dim3A_7 {strides = array<i32>} : memref<40000xf32, #tpu.memory_space<vmem>>, vector<16xf32>,
        %scan3A_178 = arith.constant 0 : i32
        %scan3A_179 = arith.constant 1 : i32
        %scan3A_180 = arith.addi %scan3A_170, %scan3A_179 : i32
        %mul3A_181 = arith.constant 16 : i32
        %mul3A_182 = arith.muli %scan3A_180, %mul3A_181 : i32
        %add3A_183 = arith.constant 20000 : i32
        %add3A_184 = arith.addi %add3A_183, %mul3A_182 : i32
        %swap3A_185 = arith.index_cast %add3A_184 : i32 to index
        %swap3A_186 = tpu.vector_load %arg11[%swap3A_185] {strides = array<i32>} : memref<40000xf32, #tpu.memory_space<vmem>>, vector<16xf32>,
        tpu.vector_store %arg11[%swap3A_185], %broadcast_in_dim3A_7 {strides = array<i32>} : memref<40000xf32, #tpu.memory_space<vmem>>, vector<16xf32>,
        %scan3A_187 = arith.constant 0 : i32
        %scan3A_188 = arith.constant 2 : i32
        %scan3A_189 = arith.addi %scan3A_170, %scan3A_188 : i32
        %mul3A_190 = arith.constant 16 : i32
        %mul3A_191 = arith.muli %scan3A_189, %mul3A_190 : i32
        %add3A_192 = arith.constant 20000 : i32
        %add3A_193 = arith.addi %add3A_192, %mul3A_191 : i32
        %swap3A_194 = arith.index_cast %add3A_193 : i32 to index
        %swap3A_195 = tpu.vector_load %arg11[%swap3A_194] {strides = array<i32>} : memref<40000xf32, #tpu.memory_space<vmem>>, vector<16xf32>,
        tpu.vector_store %arg11[%swap3A_194], %broadcast_in_dim3A_7 {strides = array<i32>} : memref<40000xf32, #tpu.memory_space<vmem>>, vector<16xf32>,
        %scan3A_196 = arith.constant 0 : i32
        %scan3A_197 = arith.constant 3 : i32
        %scan3A_198 = arith.addi %scan3A_170, %scan3A_197 : i32
        %mul3A_199 = arith.constant 16 : i32
        %mul3A_200 = arith.muli %scan3A_198, %mul3A_199 : i32
        %add3A_201 = arith.constant 20000 : i32
        %add3A_202 = arith.addi %add3A_201, %mul3A_200 : i32
        %swap3A_203 = arith.index_cast %add3A_202 : i32 to index
        %swap3A_204 = tpu.vector_load %arg11[%swap3A_203] {strides = array<i32>} : memref<40000xf32, #tpu.memory_space<vmem>>, vector<16xf32>,
        tpu.vector_store %arg11[%swap3A_203], %broadcast_in_dim3A_7 {strides = array<i32>} : memref<40000xf32, #tpu.memory_space<vmem>>, vector<16xf32>,
        %scan3A_205 = arith.constant 0 : i32
        %scan3A_206 = arith.constant 4 : i32
        %scan3A_207 = arith.addi %scan3A_170, %scan3A_206 : i32
        %mul3A_208 = arith.constant 16 : i32
        %mul3A_209 = arith.muli %scan3A_207, %mul3A_208 : i32
        %add3A_210 = arith.constant 20000 : i32
        %add3A_211 = arith.addi %add3A_210, %mul3A_209 : i32
        %swap3A_212 = arith.index_cast %add3A_211 : i32 to index
        %swap3A_213 = tpu.vector_load %arg11[%swap3A_212] {strides = array<i32>} : memref<40000xf32, #tpu.memory_space<vmem>>, vector<16xf32>,
        tpu.vector_store %arg11[%swap3A_212], %broadcast_in_dim3A_7 {strides = array<i32>} : memref<40000xf32, #tpu.memory_space<vmem>>, vector<16xf32>,
        %scan3A_214 = arith.constant 0 : i32
        %scan3A_215 = arith.constant 5 : i32
        %scan3A_216 = arith.addi %scan3A_170, %scan3A_215 : i32
        %mul3A_217 = arith.constant 16 : i32
        %mul3A_218 = arith.muli %scan3A_216, %mul3A_217 : i32
        %add3A_219 = arith.constant 20000 : i32
        %add3A_220 = arith.addi %add3A_219, %mul3A_218 : i32
        %swap3A_221 = arith.index_cast %add3A_220 : i32 to index
        %swap3A_222 = tpu.vector_load %arg11[%swap3A_221] {strides = array<i32>} : memref<40000xf32, #tpu.memory_space<vmem>>, vector<16xf32>,
        tpu.vector_store %arg11[%swap3A_221], %broadcast_in_dim3A_7 {strides = array<i32>} : memref<40000xf32, #tpu.memory_space<vmem>>, vector<16xf32>,
        %scan3A_223 = arith.constant 0 : i32
        %scan3A_224 = arith.constant 6 : i32
        %scan3A_225 = arith.addi %scan3A_170, %scan3A_224 : i32
        %mul3A_226 = arith.constant 16 : i32
        %mul3A_227 = arith.muli %scan3A_225, %mul3A_226 : i32
        %add3A_228 = arith.constant 20000 : i32
        %add3A_229 = arith.addi %add3A_228, %mul3A_227 : i32
        %swap3A_230 = arith.index_cast %add3A_229 : i32 to index
        %swap3A_231 = tpu.vector_load %arg11[%swap3A_230] {strides = array<i32>} : memref<40000xf32, #tpu.memory_space<vmem>>, vector<16xf32>,
        tpu.vector_store %arg11[%swap3A_230], %broadcast_in_dim3A_7 {strides = array<i32>} : memref<40000xf32, #tpu.memory_space<vmem>>, vector<16xf32>,
        %scan3A_232 = arith.constant 0 : i32
        %scan3A_233 = arith.constant 7 : i32
        %scan3A_234 = arith.addi %scan3A_170, %scan3A_233 : i32
        %mul3A_235 = arith.constant 16 : i32
        %mul3A_236 = arith.muli %scan3A_234, %mul3A_235 : i32
        %add3A_237 = arith.constant 20000 : i32
        %add3A_238 = arith.addi %add3A_237, %mul3A_236 : i32
        %swap3A_239 = arith.index_cast %add3A_238 : i32 to index
        %swap3A_240 = tpu.vector_load %arg11[%swap3A_239] {strides = array<i32>} : memref<40000xf32, #tpu.memory_space<vmem>>, vector<16xf32>,
        tpu.vector_store %arg11[%swap3A_239], %broadcast_in_dim3A_7 {strides = array<i32>} : memref<40000xf32, #tpu.memory_space<vmem>>, vector<16xf32>,
        %scan3A_241 = arith.constant 0 : i32
        scf.yield %scan3A_241 : i32
      }
      %scan3A_96 = arith.constant 624 : i32
      %scan3A_97 = arith.addi %scan3A_91, %scan3A_96 : i32
      %mul3A_98 = arith.constant 16 : i32
      %mul3A_99 = arith.muli %scan3A_97, %mul3A_98 : i32
      %add3A_100 = arith.constant 20000 : i32
      %add3A_101 = arith.addi %add3A_100, %mul3A_99 : i32
      %swap3A_102 = arith.index_cast %add3A_101 : i32 to index
      %swap3A_103 = tpu.vector_load %arg11[%swap3A_102] {strides = array<i32>} : memref<40000xf32, #tpu.memory_space<vmem>>, vector<16xf32>,
      tpu.vector_store %arg11[%swap3A_102], %broadcast_in_dim3A_7 {strides = array<i32>} : memref<40000xf32, #tpu.memory_space<vmem>>, vector<16xf32>,
      %scan3A_104 = arith.constant 0 : i32
      %scan3A_105 = arith.constant 625 : i32
      "tpu.trace_stop"() : () -> ()
      "tpu.trace_start"() <{level = 10 : i32, message = "phaseA"}> : () -> ()
      %scan3A_106 = arith.constant 0 : i32
      %scan3A_107 = arith.constant 0 : i32
      %scan3A_108 = arith.constant 2 : i32
      %scan3A_109 = arith.addi %scan3A_107, %scan3A_108 : i32
      %scan3A_110 = arith.constant 1 : i32
      %scan3A_111 = scf.for %scan3A_170 = %scan3A_107 to %scan3A_109 step %scan3A_110 iter_args(%scan3A_171 = %scan3A_106) -> (i32)  : i32 {
        %mul3A_172 = arith.constant 10752 : i32
        %mul3A_173 = arith.muli %arg1, %mul3A_172 : i32
        %mul3A_174 = arith.constant 5376 : i32
        %mul3A_175 = arith.muli %scan3A_170, %mul3A_174 : i32
        %add3A_176 = arith.addi %mul3A_173, %mul3A_175 : i32
        "tpu.region"() ({
          %run_scoped3A = tpu.sem_alloc : memref<!tpu.dma_semaphore, #tpu.memory_space<semaphore_mem>>
          %dma_start3A_180 = tpu.memref_slice %arg16[%add3A_176] : memref<172032xi32, #tpu.memory_space<vmem_shared>> -> memref<5376xi32, #tpu.memory_space<vmem_shared>>
          %dma_start3A_181 = tpu.memref_slice %arg16[%add3A_176] : memref<172032xi32, #tpu.memory_space<vmem_shared>> -> memref<5376xi32, #tpu.memory_space<vmem_shared>>
          tpu.enqueue_dma source(%dma_start3A_181 : memref<5376xi32, #tpu.memory_space<vmem_shared>>) target(%arg7 : memref<5376xi32, #tpu.memory_space<vmem>>) target_semaphore(%run_scoped3A : memref<!tpu.dma_semaphore, #tpu.memory_space<semaphore_mem>>)
          %dma_wait3A = tpu.memref_slice %arg16[%add3A_176] : memref<172032xi32, #tpu.memory_space<vmem_shared>> -> memref<5376xi32, #tpu.memory_space<vmem_shared>>
          %dma_wait3A_182 = tpu.memref_slice %arg16[%add3A_176] : memref<172032xi32, #tpu.memory_space<vmem_shared>> -> memref<5376xi32, #tpu.memory_space<vmem_shared>>
          tpu.wait_dma2 semaphore(%run_scoped3A : memref<!tpu.dma_semaphore, #tpu.memory_space<semaphore_mem>>) src(%dma_wait3A_182 : memref<5376xi32, #tpu.memory_space<vmem_shared>>) dst(%arg7 : memref<5376xi32, #tpu.memory_space<vmem>>)
          tpu.yield
        }) : () -> ()
        %parallel_loop3A = arith.constant 0 : i32
        %parallel_loop3A_177 = arith.constant 336 : i32
        %parallel_loop3A_178 = arith.constant 1 : i32
        scf.for %parallel_loop3A_180 = %parallel_loop3A to %parallel_loop3A_177 step %parallel_loop3A_178  : i32 {
          %parallel_loop3A_181 = arith.constant 16 : i32
          %parallel_loop3A_182 = arith.muli %parallel_loop3A_180, %parallel_loop3A_181 : i32
          %parallel_loop3A_183 = arith.index_cast %parallel_loop3A_182 : i32 to index
          %parallel_loop3A_184 = tpu.vector_load %arg7[%parallel_loop3A_183] {strides = array<i32>} : memref<5376xi32, #tpu.memory_space<vmem>>, vector<16xi32>,
          %parallel_loop3A_185 = arith.constant 14 : i32
          %parallel_loop3A_186 = vector.broadcast %parallel_loop3A_185 : i32 to vector<16xi32>
          %parallel_loop3A_187 = arith.shrui %parallel_loop3A_184, %parallel_loop3A_186 : vector<16xi32>
          %parallel_loop3A_188 = arith.constant 16383 : i32
          %parallel_loop3A_189 = vector.broadcast %parallel_loop3A_188 : i32 to vector<16xi32>
          %parallel_loop3A_190 = arith.andi %parallel_loop3A_184, %parallel_loop3A_189 : vector<16xi32>
          %parallel_loop3A_191 = tpu.vector_load_idx %arg11[%parallel_loop3A_187] : memref<40000xf32, #tpu.memory_space<vmem>>[vector<16xi32>], vector<16xf32>,
          %parallel_loop3A_192 = arith.constant 10000 : i32
          %parallel_loop3A_193 = vector.broadcast %parallel_loop3A_192 : i32 to vector<16xi32>
          %parallel_loop3A_194 = arith.addi %parallel_loop3A_190, %parallel_loop3A_193 : vector<16xi32>
          %parallel_loop3A_195 = tpu.vector_load_idx %arg11[%parallel_loop3A_194] : memref<40000xf32, #tpu.memory_space<vmem>>[vector<16xi32>], vector<16xf32>,
          %parallel_loop3A_196 = arith.addf %parallel_loop3A_191, %parallel_loop3A_195 : vector<16xf32>
          %parallel_loop3A_197 = arith.constant 0.000000e+00 : f32
          %parallel_loop3A_198 = vector.broadcast %parallel_loop3A_197 : f32 to vector<16xf32>
          %parallel_loop3A_199 = arith.cmpf oge, %parallel_loop3A_196, %parallel_loop3A_198 : vector<16xf32>
          %parallel_loop3A_200 = arith.constant 2.000000e-01 : f32
          %parallel_loop3A_201 = vector.broadcast %parallel_loop3A_200 : f32 to vector<16xf32>
          %parallel_loop3A_202 = arith.mulf %parallel_loop3A_201, %parallel_loop3A_196 : vector<16xf32>
          %parallel_loop3A_203 = arith.select %parallel_loop3A_199, %parallel_loop3A_196, %parallel_loop3A_202 : vector<16xi1>, vector<16xf32>
          %parallel_loop3A_204 = arith.constant 16 : i32
          %parallel_loop3A_205 = arith.muli %parallel_loop3A_180, %parallel_loop3A_204 : i32
          %parallel_loop3A_206 = arith.addi %add3A_176, %parallel_loop3A_205 : i32
          %parallel_loop3A_207 = vector.broadcast %parallel_loop3A_206 : i32 to vector<16xi32>
          %parallel_loop3A_208 = arith.addi %parallel_loop3A_207, %iota3A : vector<16xi32>
          %parallel_loop3A_209 = arith.constant 170000 : i32
          %parallel_loop3A_210 = vector.broadcast %parallel_loop3A_209 : i32 to vector<16xi32>
          %parallel_loop3A_211 = arith.cmpi slt, %parallel_loop3A_208, %parallel_loop3A_210 : vector<16xi32>
          %parallel_loop3A_212 = arith.subf %parallel_loop3A_203, %add3A_89 : vector<16xf32>
          %parallel_loop3A_213 = math.exp %parallel_loop3A_212 : vector<16xf32>
          %parallel_loop3A_214 = arith.constant 0.000000e+00 : f32
          %parallel_loop3A_215 = vector.broadcast %parallel_loop3A_214 : f32 to vector<16xf32>
          %parallel_loop3A_216 = arith.select %parallel_loop3A_211, %parallel_loop3A_213, %parallel_loop3A_215 : vector<16xi1>, vector<16xf32>
          %parallel_loop3A_217 = arith.constant 16 : i32
          %parallel_loop3A_218 = arith.muli %parallel_loop3A_180, %parallel_loop3A_217 : i32
          %parallel_loop3A_219 = arith.index_cast %parallel_loop3A_218 : i32 to index
          %parallel_loop3A_220 = tpu.vector_load %arg8[%parallel_loop3A_219] {strides = array<i32>} : memref<5376xf32, #tpu.memory_space<vmem>>, vector<16xf32>,
          tpu.vector_store %arg8[%parallel_loop3A_219], %parallel_loop3A_216 {strides = array<i32>} : memref<5376xf32, #tpu.memory_space<vmem>>, vector<16xf32>,
          %parallel_loop3A_221 = arith.constant 20000 : i32
          %parallel_loop3A_222 = vector.broadcast %parallel_loop3A_221 : i32 to vector<16xi32>
          %parallel_loop3A_223 = arith.addi %parallel_loop3A_190, %parallel_loop3A_222 : vector<16xi32>
          tpu.vector_store_idx %arg11[%parallel_loop3A_223], %parallel_loop3A_216 {add = true} : memref<40000xf32, #tpu.memory_space<vmem>>[vector<16xi32>], vector<16xf32>,
        } {sc.loop_unroll_factor = 2 : i64, sc.parallel_access}
        "tpu.region"() ({
          %run_scoped3A = tpu.sem_alloc : memref<!tpu.dma_semaphore, #tpu.memory_space<semaphore_mem>>
          %dma_start3A_180 = tpu.memref_slice %arg17[%add3A_176] : memref<172032xf32, #tpu.memory_space<vmem_shared>> -> memref<5376xf32, #tpu.memory_space<vmem_shared>>
          %dma_start3A_181 = tpu.memref_slice %arg17[%add3A_176] : memref<172032xf32, #tpu.memory_space<vmem_shared>> -> memref<5376xf32, #tpu.memory_space<vmem_shared>>
          tpu.enqueue_dma source(%arg8 : memref<5376xf32, #tpu.memory_space<vmem>>) target(%dma_start3A_181 : memref<5376xf32, #tpu.memory_space<vmem_shared>>) target_semaphore(%run_scoped3A : memref<!tpu.dma_semaphore, #tpu.memory_space<semaphore_mem>>)
          %dma_wait3A = tpu.memref_slice %arg17[%add3A_176] : memref<172032xf32, #tpu.memory_space<vmem_shared>> -> memref<5376xf32, #tpu.memory_space<vmem_shared>>
          %dma_wait3A_182 = tpu.memref_slice %arg17[%add3A_176] : memref<172032xf32, #tpu.memory_space<vmem_shared>> -> memref<5376xf32, #tpu.memory_space<vmem_shared>>
          tpu.wait_dma2 semaphore(%run_scoped3A : memref<!tpu.dma_semaphore, #tpu.memory_space<semaphore_mem>>) src(%arg8 : memref<5376xf32, #tpu.memory_space<vmem>>) dst(%dma_wait3A_182 : memref<5376xf32, #tpu.memory_space<vmem_shared>>)
          tpu.yield
        }) : () -> ()
        %scan3A_179 = arith.constant 0 : i32
        scf.yield %scan3A_179 : i32
      }
      %scan3A_112 = arith.constant 2 : i32
      %eq3A = arith.constant 0 : i32
      "tpu.trace_stop"() : () -> ()
      "tpu.trace_start"() <{level = 10 : i32, message = "hstage"}> : () -> ()
      %eq3A_113 = arith.cmpi eq, %arg0, %eq3A : i32
      %convert_element_type3A = arith.extui %eq3A_113 : i1 to i32
      %cond3A = arith.constant 0 : i32
      %cond3A_114 = arith.cmpi ne, %convert_element_type3A, %cond3A : i32
      scf.if %cond3A_114 {
        "tpu.region"() ({
          %run_scoped3A = tpu.sem_alloc : memref<!tpu.dma_semaphore, #tpu.memory_space<semaphore_mem>>
          %dma_start3A_170 = arith.constant 20000 : i32
          %dma_start3A_171 = tpu.memref_slice %arg11[%dma_start3A_170] : memref<40000xf32, #tpu.memory_space<vmem>> -> memref<10000xf32, #tpu.memory_space<vmem>>
          %dma_start3A_172 = arith.constant 0 : i32
          %dma_start3A_173 = tpu.memref_slice %arg6[%scan3A_13, %arg1, %dma_start3A_172] : memref<24x16x10000xf32, #tpu.memory_space<hbm>> -> memref<1x1x10000xf32, #tpu.memory_space<hbm>>
          %dma_start3A_174 = tpu.memref_squeeze %dma_start3A_173 : memref<1x1x10000xf32, #tpu.memory_space<hbm>> -> memref<10000xf32, #tpu.memory_space<hbm>>
          %dma_start3A_175 = arith.constant 0 : i32
          %dma_start3A_176 = tpu.memref_slice %arg6[%scan3A_13, %arg1, %dma_start3A_175] : memref<24x16x10000xf32, #tpu.memory_space<hbm>> -> memref<1x1x10000xf32, #tpu.memory_space<hbm>>
          %dma_start3A_177 = tpu.memref_squeeze %dma_start3A_176 : memref<1x1x10000xf32, #tpu.memory_space<hbm>> -> memref<10000xf32, #tpu.memory_space<hbm>>
          %dma_start3A_178 = arith.constant 20000 : i32
          %dma_start3A_179 = tpu.memref_slice %arg11[%dma_start3A_178] : memref<40000xf32, #tpu.memory_space<vmem>> -> memref<10000xf32, #tpu.memory_space<vmem>>
          tpu.enqueue_dma source(%dma_start3A_179 : memref<10000xf32, #tpu.memory_space<vmem>>) target(%dma_start3A_177 : memref<10000xf32, #tpu.memory_space<hbm>>) target_semaphore(%run_scoped3A : memref<!tpu.dma_semaphore, #tpu.memory_space<semaphore_mem>>)
          %dma_wait3A = arith.constant 20000 : i32
          %dma_wait3A_180 = tpu.memref_slice %arg11[%dma_wait3A] : memref<40000xf32, #tpu.memory_space<vmem>> -> memref<10000xf32, #tpu.memory_space<vmem>>
          %dma_wait3A_181 = arith.constant 0 : i32
          %dma_wait3A_182 = tpu.memref_slice %arg6[%scan3A_13, %arg1, %dma_wait3A_181] : memref<24x16x10000xf32, #tpu.memory_space<hbm>> -> memref<1x1x10000xf32, #tpu.memory_space<hbm>>
          %dma_wait3A_183 = tpu.memref_squeeze %dma_wait3A_182 : memref<1x1x10000xf32, #tpu.memory_space<hbm>> -> memref<10000xf32, #tpu.memory_space<hbm>>
          %dma_wait3A_184 = arith.constant 0 : i32
          %dma_wait3A_185 = tpu.memref_slice %arg6[%scan3A_13, %arg1, %dma_wait3A_184] : memref<24x16x10000xf32, #tpu.memory_space<hbm>> -> memref<1x1x10000xf32, #tpu.memory_space<hbm>>
          %dma_wait3A_186 = tpu.memref_squeeze %dma_wait3A_185 : memref<1x1x10000xf32, #tpu.memory_space<hbm>> -> memref<10000xf32, #tpu.memory_space<hbm>>
          %dma_wait3A_187 = arith.constant 20000 : i32
          %dma_wait3A_188 = tpu.memref_slice %arg11[%dma_wait3A_187] : memref<40000xf32, #tpu.memory_space<vmem>> -> memref<10000xf32, #tpu.memory_space<vmem>>
          tpu.wait_dma2 semaphore(%run_scoped3A : memref<!tpu.dma_semaphore, #tpu.memory_space<semaphore_mem>>) src(%dma_wait3A_188 : memref<10000xf32, #tpu.memory_space<vmem>>) dst(%dma_wait3A_186 : memref<10000xf32, #tpu.memory_space<hbm>>)
          tpu.yield
        }) : () -> ()
      } else {
      }
      %mul3A_115 = arith.constant 10000 : i32
      %mul3A_116 = arith.muli %mul3A_2, %mul3A_115 : i32
      "tpu.region"() ({
        %run_scoped3A = tpu.sem_alloc : memref<!tpu.dma_semaphore, #tpu.memory_space<semaphore_mem>>
        %dma_start3A_170 = tpu.memref_slice %arg3[%scan3A_13, %mul3A_116] : memref<24x1280000xf32, #tpu.memory_space<hbm>> -> memref<1x40000xf32, #tpu.memory_space<hbm>>
        %dma_start3A_171 = tpu.memref_squeeze %dma_start3A_170 : memref<1x40000xf32, #tpu.memory_space<hbm>> -> memref<40000xf32, #tpu.memory_space<hbm>>
        %dma_start3A_172 = tpu.memref_slice %arg3[%scan3A_13, %mul3A_116] : memref<24x1280000xf32, #tpu.memory_space<hbm>> -> memref<1x40000xf32, #tpu.memory_space<hbm>>
        %dma_start3A_173 = tpu.memref_squeeze %dma_start3A_172 : memref<1x40000xf32, #tpu.memory_space<hbm>> -> memref<40000xf32, #tpu.memory_space<hbm>>
        tpu.enqueue_dma source(%dma_start3A_173 : memref<40000xf32, #tpu.memory_space<hbm>>) target(%arg11 : memref<40000xf32, #tpu.memory_space<vmem>>) target_semaphore(%run_scoped3A : memref<!tpu.dma_semaphore, #tpu.memory_space<semaphore_mem>>)
        %dma_wait3A = tpu.memref_slice %arg3[%scan3A_13, %mul3A_116] : memref<24x1280000xf32, #tpu.memory_space<hbm>> -> memref<1x40000xf32, #tpu.memory_space<hbm>>
        %dma_wait3A_174 = tpu.memref_squeeze %dma_wait3A : memref<1x40000xf32, #tpu.memory_space<hbm>> -> memref<40000xf32, #tpu.memory_space<hbm>>
        %dma_wait3A_175 = tpu.memref_slice %arg3[%scan3A_13, %mul3A_116] : memref<24x1280000xf32, #tpu.memory_space<hbm>> -> memref<1x40000xf32, #tpu.memory_space<hbm>>
        %dma_wait3A_176 = tpu.memref_squeeze %dma_wait3A_175 : memref<1x40000xf32, #tpu.memory_space<hbm>> -> memref<40000xf32, #tpu.memory_space<hbm>>
        tpu.wait_dma2 semaphore(%run_scoped3A : memref<!tpu.dma_semaphore, #tpu.memory_space<semaphore_mem>>) src(%dma_wait3A_176 : memref<40000xf32, #tpu.memory_space<hbm>>) dst(%arg11 : memref<40000xf32, #tpu.memory_space<vmem>>)
        tpu.yield
      }) : () -> ()
      %scan3A_117 = arith.constant 0 : i32
      %scan3A_118 = arith.constant 0 : i32
      %scan3A_119 = arith.constant 2496 : i32
      %scan3A_120 = arith.addi %scan3A_118, %scan3A_119 : i32
      %scan3A_121 = arith.constant 8 : i32
      %scan3A_122 = scf.for %scan3A_170 = %scan3A_118 to %scan3A_120 step %scan3A_121 iter_args(%scan3A_171 = %scan3A_117) -> (i32)  : i32 {
        %mul3A_172 = arith.constant 16 : i32
        %mul3A_173 = arith.muli %scan3A_170, %mul3A_172 : i32
        %swap3A_174 = arith.index_cast %mul3A_173 : i32 to index
        %swap3A_175 = tpu.vector_load %arg12[%swap3A_174] {strides = array<i32>} : memref<40000xf32, #tpu.memory_space<vmem>>, vector<16xf32>,
        tpu.vector_store %arg12[%swap3A_174], %broadcast_in_dim3A_7 {strides = array<i32>} : memref<40000xf32, #tpu.memory_space<vmem>>, vector<16xf32>,
        %scan3A_176 = arith.constant 0 : i32
        %scan3A_177 = arith.constant 1 : i32
        %scan3A_178 = arith.addi %scan3A_170, %scan3A_177 : i32
        %mul3A_179 = arith.constant 16 : i32
        %mul3A_180 = arith.muli %scan3A_178, %mul3A_179 : i32
        %swap3A_181 = arith.index_cast %mul3A_180 : i32 to index
        %swap3A_182 = tpu.vector_load %arg12[%swap3A_181] {strides = array<i32>} : memref<40000xf32, #tpu.memory_space<vmem>>, vector<16xf32>,
        tpu.vector_store %arg12[%swap3A_181], %broadcast_in_dim3A_7 {strides = array<i32>} : memref<40000xf32, #tpu.memory_space<vmem>>, vector<16xf32>,
        %scan3A_183 = arith.constant 0 : i32
        %scan3A_184 = arith.constant 2 : i32
        %scan3A_185 = arith.addi %scan3A_170, %scan3A_184 : i32
        %mul3A_186 = arith.constant 16 : i32
        %mul3A_187 = arith.muli %scan3A_185, %mul3A_186 : i32
        %swap3A_188 = arith.index_cast %mul3A_187 : i32 to index
        %swap3A_189 = tpu.vector_load %arg12[%swap3A_188] {strides = array<i32>} : memref<40000xf32, #tpu.memory_space<vmem>>, vector<16xf32>,
        tpu.vector_store %arg12[%swap3A_188], %broadcast_in_dim3A_7 {strides = array<i32>} : memref<40000xf32, #tpu.memory_space<vmem>>, vector<16xf32>,
        %scan3A_190 = arith.constant 0 : i32
        %scan3A_191 = arith.constant 3 : i32
        %scan3A_192 = arith.addi %scan3A_170, %scan3A_191 : i32
        %mul3A_193 = arith.constant 16 : i32
        %mul3A_194 = arith.muli %scan3A_192, %mul3A_193 : i32
        %swap3A_195 = arith.index_cast %mul3A_194 : i32 to index
        %swap3A_196 = tpu.vector_load %arg12[%swap3A_195] {strides = array<i32>} : memref<40000xf32, #tpu.memory_space<vmem>>, vector<16xf32>,
        tpu.vector_store %arg12[%swap3A_195], %broadcast_in_dim3A_7 {strides = array<i32>} : memref<40000xf32, #tpu.memory_space<vmem>>, vector<16xf32>,
        %scan3A_197 = arith.constant 0 : i32
        %scan3A_198 = arith.constant 4 : i32
        %scan3A_199 = arith.addi %scan3A_170, %scan3A_198 : i32
        %mul3A_200 = arith.constant 16 : i32
        %mul3A_201 = arith.muli %scan3A_199, %mul3A_200 : i32
        %swap3A_202 = arith.index_cast %mul3A_201 : i32 to index
        %swap3A_203 = tpu.vector_load %arg12[%swap3A_202] {strides = array<i32>} : memref<40000xf32, #tpu.memory_space<vmem>>, vector<16xf32>,
        tpu.vector_store %arg12[%swap3A_202], %broadcast_in_dim3A_7 {strides = array<i32>} : memref<40000xf32, #tpu.memory_space<vmem>>, vector<16xf32>,
        %scan3A_204 = arith.constant 0 : i32
        %scan3A_205 = arith.constant 5 : i32
        %scan3A_206 = arith.addi %scan3A_170, %scan3A_205 : i32
        %mul3A_207 = arith.constant 16 : i32
        %mul3A_208 = arith.muli %scan3A_206, %mul3A_207 : i32
        %swap3A_209 = arith.index_cast %mul3A_208 : i32 to index
        %swap3A_210 = tpu.vector_load %arg12[%swap3A_209] {strides = array<i32>} : memref<40000xf32, #tpu.memory_space<vmem>>, vector<16xf32>,
        tpu.vector_store %arg12[%swap3A_209], %broadcast_in_dim3A_7 {strides = array<i32>} : memref<40000xf32, #tpu.memory_space<vmem>>, vector<16xf32>,
        %scan3A_211 = arith.constant 0 : i32
        %scan3A_212 = arith.constant 6 : i32
        %scan3A_213 = arith.addi %scan3A_170, %scan3A_212 : i32
        %mul3A_214 = arith.constant 16 : i32
        %mul3A_215 = arith.muli %scan3A_213, %mul3A_214 : i32
        %swap3A_216 = arith.index_cast %mul3A_215 : i32 to index
        %swap3A_217 = tpu.vector_load %arg12[%swap3A_216] {strides = array<i32>} : memref<40000xf32, #tpu.memory_space<vmem>>, vector<16xf32>,
        tpu.vector_store %arg12[%swap3A_216], %broadcast_in_dim3A_7 {strides = array<i32>} : memref<40000xf32, #tpu.memory_space<vmem>>, vector<16xf32>,
        %scan3A_218 = arith.constant 0 : i32
        %scan3A_219 = arith.constant 7 : i32
        %scan3A_220 = arith.addi %scan3A_170, %scan3A_219 : i32
        %mul3A_221 = arith.constant 16 : i32
        %mul3A_222 = arith.muli %scan3A_220, %mul3A_221 : i32
        %swap3A_223 = arith.index_cast %mul3A_222 : i32 to index
        %swap3A_224 = tpu.vector_load %arg12[%swap3A_223] {strides = array<i32>} : memref<40000xf32, #tpu.memory_space<vmem>>, vector<16xf32>,
        tpu.vector_store %arg12[%swap3A_223], %broadcast_in_dim3A_7 {strides = array<i32>} : memref<40000xf32, #tpu.memory_space<vmem>>, vector<16xf32>,
        %scan3A_225 = arith.constant 0 : i32
        scf.yield %scan3A_225 : i32
      }
      %scan3A_123 = arith.constant 2496 : i32
      %scan3A_124 = arith.addi %scan3A_118, %scan3A_123 : i32
      %mul3A_125 = arith.constant 16 : i32
      %mul3A_126 = arith.muli %scan3A_124, %mul3A_125 : i32
      %swap3A_127 = arith.index_cast %mul3A_126 : i32 to index
      %swap3A_128 = tpu.vector_load %arg12[%swap3A_127] {strides = array<i32>} : memref<40000xf32, #tpu.memory_space<vmem>>, vector<16xf32>,
      tpu.vector_store %arg12[%swap3A_127], %broadcast_in_dim3A_7 {strides = array<i32>} : memref<40000xf32, #tpu.memory_space<vmem>>, vector<16xf32>,
      %scan3A_129 = arith.constant 0 : i32
      %scan3A_130 = arith.constant 2497 : i32
      %scan3A_131 = arith.addi %scan3A_118, %scan3A_130 : i32
      %mul3A_132 = arith.constant 16 : i32
      %mul3A_133 = arith.muli %scan3A_131, %mul3A_132 : i32
      %swap3A_134 = arith.index_cast %mul3A_133 : i32 to index
      %swap3A_135 = tpu.vector_load %arg12[%swap3A_134] {strides = array<i32>} : memref<40000xf32, #tpu.memory_space<vmem>>, vector<16xf32>,
      tpu.vector_store %arg12[%swap3A_134], %broadcast_in_dim3A_7 {strides = array<i32>} : memref<40000xf32, #tpu.memory_space<vmem>>, vector<16xf32>,
      %scan3A_136 = arith.constant 0 : i32
      %scan3A_137 = arith.constant 2498 : i32
      %scan3A_138 = arith.addi %scan3A_118, %scan3A_137 : i32
      %mul3A_139 = arith.constant 16 : i32
      %mul3A_140 = arith.muli %scan3A_138, %mul3A_139 : i32
      %swap3A_141 = arith.index_cast %mul3A_140 : i32 to index
      %swap3A_142 = tpu.vector_load %arg12[%swap3A_141] {strides = array<i32>} : memref<40000xf32, #tpu.memory_space<vmem>>, vector<16xf32>,
      tpu.vector_store %arg12[%swap3A_141], %broadcast_in_dim3A_7 {strides = array<i32>} : memref<40000xf32, #tpu.memory_space<vmem>>, vector<16xf32>,
      %scan3A_143 = arith.constant 0 : i32
      %scan3A_144 = arith.constant 2499 : i32
      %scan3A_145 = arith.addi %scan3A_118, %scan3A_144 : i32
      %mul3A_146 = arith.constant 16 : i32
      %mul3A_147 = arith.muli %scan3A_145, %mul3A_146 : i32
      %swap3A_148 = arith.index_cast %mul3A_147 : i32 to index
      %swap3A_149 = tpu.vector_load %arg12[%swap3A_148] {strides = array<i32>} : memref<40000xf32, #tpu.memory_space<vmem>>, vector<16xf32>,
      tpu.vector_store %arg12[%swap3A_148], %broadcast_in_dim3A_7 {strides = array<i32>} : memref<40000xf32, #tpu.memory_space<vmem>>, vector<16xf32>,
      %scan3A_150 = arith.constant 0 : i32
      %scan3A_151 = arith.constant 2500 : i32
      "tpu.trace_stop"() : () -> ()
      "tpu.trace_start"() <{level = 10 : i32, message = "phaseB"}> : () -> ()
      %barrier3A_152 = arith.constant 0 : index
      tpu.barrier barrier_id(%barrier3A_152)
      %dma_start3A = arith.constant 0 : i32
      %dma_start3A_153 = tpu.memref_slice %arg16[%dma_start3A] : memref<172032xi32, #tpu.memory_space<vmem_shared>> -> memref<5376xi32, #tpu.memory_space<vmem_shared>>
      %dma_start3A_154 = arith.constant 0 : i32
      %dma_start3A_155 = tpu.memref_slice %arg16[%dma_start3A_154] : memref<172032xi32, #tpu.memory_space<vmem_shared>> -> memref<5376xi32, #tpu.memory_space<vmem_shared>>
      tpu.enqueue_dma source(%dma_start3A_155 : memref<5376xi32, #tpu.memory_space<vmem_shared>>) target(%arg7 : memref<5376xi32, #tpu.memory_space<vmem>>) target_semaphore(%arg14 : memref<!tpu.dma_semaphore, #tpu.memory_space<semaphore_mem>>)
      %dma_start3A_156 = arith.constant 0 : i32
      %dma_start3A_157 = tpu.memref_slice %arg17[%dma_start3A_156] : memref<172032xf32, #tpu.memory_space<vmem_shared>> -> memref<5376xf32, #tpu.memory_space<vmem_shared>>
      %dma_start3A_158 = arith.constant 0 : i32
      %dma_start3A_159 = tpu.memref_slice %arg17[%dma_start3A_158] : memref<172032xf32, #tpu.memory_space<vmem_shared>> -> memref<5376xf32, #tpu.memory_space<vmem_shared>>
      tpu.enqueue_dma source(%dma_start3A_159 : memref<5376xf32, #tpu.memory_space<vmem_shared>>) target(%arg8 : memref<5376xf32, #tpu.memory_space<vmem>>) target_semaphore(%arg14 : memref<!tpu.dma_semaphore, #tpu.memory_space<semaphore_mem>>)
      %scan3A_160 = arith.constant 0 : i32
      %scan3A_161 = arith.constant 0 : i32
      %scan3A_162 = arith.constant 16 : i32
      %scan3A_163 = arith.addi %scan3A_161, %scan3A_162 : i32
      %scan3A_164 = arith.constant 1 : i32
      %scan3A_165 = scf.for %scan3A_170 = %scan3A_161 to %scan3A_163 step %scan3A_164 iter_args(%scan3A_171 = %scan3A_160) -> (i32)  : i32 {
        %mul3A_172 = arith.constant 2 : i32
        %mul3A_173 = arith.muli %scan3A_170, %mul3A_172 : i32
        %add3A_174 = arith.constant 0 : i32
        %add3A_175 = arith.addi %mul3A_173, %add3A_174 : i32
        %add3A_176 = arith.constant 1 : i32
        %add3A_177 = arith.addi %add3A_175, %add3A_176 : i32
        %lt3A = arith.constant 32 : i32
        %lt3A_178 = arith.cmpi slt, %add3A_177, %lt3A : i32
        %convert_element_type3A_179 = arith.extui %lt3A_178 : i1 to i32
        %cond3A_180 = arith.constant 0 : i32
        %cond3A_181 = arith.cmpi ne, %convert_element_type3A_179, %cond3A_180 : i32
        scf.if %cond3A_181 {
          %add3A_214 = arith.constant 1 : i32
          %add3A_215 = arith.addi %add3A_175, %add3A_214 : i32
          %mul3A_216 = arith.constant 5376 : i32
          %mul3A_217 = arith.muli %add3A_215, %mul3A_216 : i32
          %dma_start3A_218 = tpu.memref_slice %arg16[%mul3A_217] : memref<172032xi32, #tpu.memory_space<vmem_shared>> -> memref<5376xi32, #tpu.memory_space<vmem_shared>>
          %dma_start3A_219 = tpu.memref_slice %arg16[%mul3A_217] : memref<172032xi32, #tpu.memory_space<vmem_shared>> -> memref<5376xi32, #tpu.memory_space<vmem_shared>>
          tpu.enqueue_dma source(%dma_start3A_219 : memref<5376xi32, #tpu.memory_space<vmem_shared>>) target(%arg9 : memref<5376xi32, #tpu.memory_space<vmem>>) target_semaphore(%arg15 : memref<!tpu.dma_semaphore, #tpu.memory_space<semaphore_mem>>)
          %dma_start3A_220 = tpu.memref_slice %arg17[%mul3A_217] : memref<172032xf32, #tpu.memory_space<vmem_shared>> -> memref<5376xf32, #tpu.memory_space<vmem_shared>>
          %dma_start3A_221 = tpu.memref_slice %arg17[%mul3A_217] : memref<172032xf32, #tpu.memory_space<vmem_shared>> -> memref<5376xf32, #tpu.memory_space<vmem_shared>>
          tpu.enqueue_dma source(%dma_start3A_221 : memref<5376xf32, #tpu.memory_space<vmem_shared>>) target(%arg10 : memref<5376xf32, #tpu.memory_space<vmem>>) target_semaphore(%arg15 : memref<!tpu.dma_semaphore, #tpu.memory_space<semaphore_mem>>)
        } else {
        }
        %dma_wait3A = arith.constant 0 : i32
        %dma_wait3A_182 = tpu.memref_slice %arg16[%dma_wait3A] : memref<172032xi32, #tpu.memory_space<vmem_shared>> -> memref<5376xi32, #tpu.memory_space<vmem_shared>>
        %dma_wait3A_183 = arith.constant 0 : i32
        %dma_wait3A_184 = tpu.memref_slice %arg16[%dma_wait3A_183] : memref<172032xi32, #tpu.memory_space<vmem_shared>> -> memref<5376xi32, #tpu.memory_space<vmem_shared>>
        tpu.wait_dma2 semaphore(%arg14 : memref<!tpu.dma_semaphore, #tpu.memory_space<semaphore_mem>>) src(%dma_wait3A_184 : memref<5376xi32, #tpu.memory_space<vmem_shared>>) dst(%arg7 : memref<5376xi32, #tpu.memory_space<vmem>>)
        %dma_wait3A_185 = arith.constant 0 : i32
        %dma_wait3A_186 = tpu.memref_slice %arg17[%dma_wait3A_185] : memref<172032xf32, #tpu.memory_space<vmem_shared>> -> memref<5376xf32, #tpu.memory_space<vmem_shared>>
        %dma_wait3A_187 = arith.constant 0 : i32
        %dma_wait3A_188 = tpu.memref_slice %arg17[%dma_wait3A_187] : memref<172032xf32, #tpu.memory_space<vmem_shared>> -> memref<5376xf32, #tpu.memory_space<vmem_shared>>
        tpu.wait_dma2 semaphore(%arg14 : memref<!tpu.dma_semaphore, #tpu.memory_space<semaphore_mem>>) src(%dma_wait3A_188 : memref<5376xf32, #tpu.memory_space<vmem_shared>>) dst(%arg8 : memref<5376xf32, #tpu.memory_space<vmem>>)
        %parallel_loop3A = arith.constant 0 : i32
        %parallel_loop3A_189 = arith.constant 336 : i32
        %parallel_loop3A_190 = arith.constant 1 : i32
        scf.for %parallel_loop3A_214 = %parallel_loop3A to %parallel_loop3A_189 step %parallel_loop3A_190  : i32 {
          %parallel_loop3A_215 = arith.constant 16 : i32
          %parallel_loop3A_216 = arith.muli %parallel_loop3A_214, %parallel_loop3A_215 : i32
          %parallel_loop3A_217 = arith.index_cast %parallel_loop3A_216 : i32 to index
          %parallel_loop3A_218 = tpu.vector_load %arg7[%parallel_loop3A_217] {strides = array<i32>} : memref<5376xi32, #tpu.memory_space<vmem>>, vector<16xi32>,
          %parallel_loop3A_219 = arith.constant 14 : i32
          %parallel_loop3A_220 = vector.broadcast %parallel_loop3A_219 : i32 to vector<16xi32>
          %parallel_loop3A_221 = arith.shrui %parallel_loop3A_218, %parallel_loop3A_220 : vector<16xi32>
          %parallel_loop3A_222 = arith.constant 16383 : i32
          %parallel_loop3A_223 = vector.broadcast %parallel_loop3A_222 : i32 to vector<16xi32>
          %parallel_loop3A_224 = arith.andi %parallel_loop3A_218, %parallel_loop3A_223 : vector<16xi32>
          %parallel_loop3A_225 = arith.constant 16 : i32
          %parallel_loop3A_226 = arith.muli %parallel_loop3A_214, %parallel_loop3A_225 : i32
          %parallel_loop3A_227 = arith.index_cast %parallel_loop3A_226 : i32 to index
          %parallel_loop3A_228 = tpu.vector_load %arg8[%parallel_loop3A_227] {strides = array<i32>} : memref<5376xf32, #tpu.memory_space<vmem>>, vector<16xf32>,
          %parallel_loop3A_229 = arith.constant 0 : i32
          %parallel_loop3A_230 = vector.broadcast %parallel_loop3A_229 : i32 to vector<16xi32>
          %parallel_loop3A_231 = arith.addi %parallel_loop3A_221, %parallel_loop3A_230 : vector<16xi32>
          %parallel_loop3A_232 = tpu.vector_load_idx %arg11[%parallel_loop3A_231] : memref<40000xf32, #tpu.memory_space<vmem>>[vector<16xi32>], vector<16xf32>,
          %parallel_loop3A_233 = arith.constant 0 : i32
          %parallel_loop3A_234 = vector.broadcast %parallel_loop3A_233 : i32 to vector<16xi32>
          %parallel_loop3A_235 = arith.addi %parallel_loop3A_224, %parallel_loop3A_234 : vector<16xi32>
          %parallel_loop3A_236 = arith.mulf %parallel_loop3A_232, %parallel_loop3A_228 : vector<16xf32>
          tpu.vector_store_idx %arg12[%parallel_loop3A_235], %parallel_loop3A_236 {add = true} : memref<40000xf32, #tpu.memory_space<vmem>>[vector<16xi32>], vector<16xf32>,
          %parallel_loop3A_237 = arith.constant 10000 : i32
          %parallel_loop3A_238 = vector.broadcast %parallel_loop3A_237 : i32 to vector<16xi32>
          %parallel_loop3A_239 = arith.addi %parallel_loop3A_221, %parallel_loop3A_238 : vector<16xi32>
          %parallel_loop3A_240 = tpu.vector_load_idx %arg11[%parallel_loop3A_239] : memref<40000xf32, #tpu.memory_space<vmem>>[vector<16xi32>], vector<16xf32>,
          %parallel_loop3A_241 = arith.constant 10000 : i32
          %parallel_loop3A_242 = vector.broadcast %parallel_loop3A_241 : i32 to vector<16xi32>
          %parallel_loop3A_243 = arith.addi %parallel_loop3A_224, %parallel_loop3A_242 : vector<16xi32>
          %parallel_loop3A_244 = arith.mulf %parallel_loop3A_240, %parallel_loop3A_228 : vector<16xf32>
          tpu.vector_store_idx %arg12[%parallel_loop3A_243], %parallel_loop3A_244 {add = true} : memref<40000xf32, #tpu.memory_space<vmem>>[vector<16xi32>], vector<16xf32>,
          %parallel_loop3A_245 = arith.constant 20000 : i32
          %parallel_loop3A_246 = vector.broadcast %parallel_loop3A_245 : i32 to vector<16xi32>
          %parallel_loop3A_247 = arith.addi %parallel_loop3A_221, %parallel_loop3A_246 : vector<16xi32>
          %parallel_loop3A_248 = tpu.vector_load_idx %arg11[%parallel_loop3A_247] : memref<40000xf32, #tpu.memory_space<vmem>>[vector<16xi32>], vector<16xf32>,
          %parallel_loop3A_249 = arith.constant 20000 : i32
          %parallel_loop3A_250 = vector.broadcast %parallel_loop3A_249 : i32 to vector<16xi32>
          %parallel_loop3A_251 = arith.addi %parallel_loop3A_224, %parallel_loop3A_250 : vector<16xi32>
          %parallel_loop3A_252 = arith.mulf %parallel_loop3A_248, %parallel_loop3A_228 : vector<16xf32>
          tpu.vector_store_idx %arg12[%parallel_loop3A_251], %parallel_loop3A_252 {add = true} : memref<40000xf32, #tpu.memory_space<vmem>>[vector<16xi32>], vector<16xf32>,
          %parallel_loop3A_253 = arith.constant 30000 : i32
          %parallel_loop3A_254 = vector.broadcast %parallel_loop3A_253 : i32 to vector<16xi32>
          %parallel_loop3A_255 = arith.addi %parallel_loop3A_221, %parallel_loop3A_254 : vector<16xi32>
          %parallel_loop3A_256 = tpu.vector_load_idx %arg11[%parallel_loop3A_255] : memref<40000xf32, #tpu.memory_space<vmem>>[vector<16xi32>], vector<16xf32>,
          %parallel_loop3A_257 = arith.constant 30000 : i32
          %parallel_loop3A_258 = vector.broadcast %parallel_loop3A_257 : i32 to vector<16xi32>
          %parallel_loop3A_259 = arith.addi %parallel_loop3A_224, %parallel_loop3A_258 : vector<16xi32>
          %parallel_loop3A_260 = arith.mulf %parallel_loop3A_256, %parallel_loop3A_228 : vector<16xf32>
          tpu.vector_store_idx %arg12[%parallel_loop3A_259], %parallel_loop3A_260 {add = true} : memref<40000xf32, #tpu.memory_space<vmem>>[vector<16xi32>], vector<16xf32>,
        } {sc.loop_unroll_factor = 2 : i64, sc.parallel_access}
        %mul3A_191 = arith.constant 2 : i32
        %mul3A_192 = arith.muli %scan3A_170, %mul3A_191 : i32
        %add3A_193 = arith.constant 1 : i32
        %add3A_194 = arith.addi %mul3A_192, %add3A_193 : i32
        %add3A_195 = arith.constant 1 : i32
        %add3A_196 = arith.addi %add3A_194, %add3A_195 : i32
        %lt3A_197 = arith.constant 32 : i32
        %lt3A_198 = arith.cmpi slt, %add3A_196, %lt3A_197 : i32
        %convert_element_type3A_199 = arith.extui %lt3A_198 : i1 to i32
        %cond3A_200 = arith.constant 0 : i32
        %cond3A_201 = arith.cmpi ne, %convert_element_type3A_199, %cond3A_200 : i32
        scf.if %cond3A_201 {
          %add3A_214 = arith.constant 1 : i32
          %add3A_215 = arith.addi %add3A_194, %add3A_214 : i32
          %mul3A_216 = arith.constant 5376 : i32
          %mul3A_217 = arith.muli %add3A_215, %mul3A_216 : i32
          %dma_start3A_218 = tpu.memref_slice %arg16[%mul3A_217] : memref<172032xi32, #tpu.memory_space<vmem_shared>> -> memref<5376xi32, #tpu.memory_space<vmem_shared>>
          %dma_start3A_219 = tpu.memref_slice %arg16[%mul3A_217] : memref<172032xi32, #tpu.memory_space<vmem_shared>> -> memref<5376xi32, #tpu.memory_space<vmem_shared>>
          tpu.enqueue_dma source(%dma_start3A_219 : memref<5376xi32, #tpu.memory_space<vmem_shared>>) target(%arg7 : memref<5376xi32, #tpu.memory_space<vmem>>) target_semaphore(%arg14 : memref<!tpu.dma_semaphore, #tpu.memory_space<semaphore_mem>>)
          %dma_start3A_220 = tpu.memref_slice %arg17[%mul3A_217] : memref<172032xf32, #tpu.memory_space<vmem_shared>> -> memref<5376xf32, #tpu.memory_space<vmem_shared>>
          %dma_start3A_221 = tpu.memref_slice %arg17[%mul3A_217] : memref<172032xf32, #tpu.memory_space<vmem_shared>> -> memref<5376xf32, #tpu.memory_space<vmem_shared>>
          tpu.enqueue_dma source(%dma_start3A_221 : memref<5376xf32, #tpu.memory_space<vmem_shared>>) target(%arg8 : memref<5376xf32, #tpu.memory_space<vmem>>) target_semaphore(%arg14 : memref<!tpu.dma_semaphore, #tpu.memory_space<semaphore_mem>>)
        } else {
        }
        %dma_wait3A_202 = arith.constant 0 : i32
        %dma_wait3A_203 = tpu.memref_slice %arg16[%dma_wait3A_202] : memref<172032xi32, #tpu.memory_space<vmem_shared>> -> memref<5376xi32, #tpu.memory_space<vmem_shared>>
        %dma_wait3A_204 = arith.constant 0 : i32
        %dma_wait3A_205 = tpu.memref_slice %arg16[%dma_wait3A_204] : memref<172032xi32, #tpu.memory_space<vmem_shared>> -> memref<5376xi32, #tpu.memory_space<vmem_shared>>
        tpu.wait_dma2 semaphore(%arg15 : memref<!tpu.dma_semaphore, #tpu.memory_space<semaphore_mem>>) src(%dma_wait3A_205 : memref<5376xi32, #tpu.memory_space<vmem_shared>>) dst(%arg9 : memref<5376xi32, #tpu.memory_space<vmem>>)
        %dma_wait3A_206 = arith.constant 0 : i32
        %dma_wait3A_207 = tpu.memref_slice %arg17[%dma_wait3A_206] : memref<172032xf32, #tpu.memory_space<vmem_shared>> -> memref<5376xf32, #tpu.memory_space<vmem_shared>>
        %dma_wait3A_208 = arith.constant 0 : i32
        %dma_wait3A_209 = tpu.memref_slice %arg17[%dma_wait3A_208] : memref<172032xf32, #tpu.memory_space<vmem_shared>> -> memref<5376xf32, #tpu.memory_space<vmem_shared>>
        tpu.wait_dma2 semaphore(%arg15 : memref<!tpu.dma_semaphore, #tpu.memory_space<semaphore_mem>>) src(%dma_wait3A_209 : memref<5376xf32, #tpu.memory_space<vmem_shared>>) dst(%arg10 : memref<5376xf32, #tpu.memory_space<vmem>>)
        %parallel_loop3A_210 = arith.constant 0 : i32
        %parallel_loop3A_211 = arith.constant 336 : i32
        %parallel_loop3A_212 = arith.constant 1 : i32
        scf.for %parallel_loop3A_214 = %parallel_loop3A_210 to %parallel_loop3A_211 step %parallel_loop3A_212  : i32 {
          %parallel_loop3A_215 = arith.constant 16 : i32
          %parallel_loop3A_216 = arith.muli %parallel_loop3A_214, %parallel_loop3A_215 : i32
          %parallel_loop3A_217 = arith.index_cast %parallel_loop3A_216 : i32 to index
          %parallel_loop3A_218 = tpu.vector_load %arg9[%parallel_loop3A_217] {strides = array<i32>} : memref<5376xi32, #tpu.memory_space<vmem>>, vector<16xi32>,
          %parallel_loop3A_219 = arith.constant 14 : i32
          %parallel_loop3A_220 = vector.broadcast %parallel_loop3A_219 : i32 to vector<16xi32>
          %parallel_loop3A_221 = arith.shrui %parallel_loop3A_218, %parallel_loop3A_220 : vector<16xi32>
          %parallel_loop3A_222 = arith.constant 16383 : i32
          %parallel_loop3A_223 = vector.broadcast %parallel_loop3A_222 : i32 to vector<16xi32>
          %parallel_loop3A_224 = arith.andi %parallel_loop3A_218, %parallel_loop3A_223 : vector<16xi32>
          %parallel_loop3A_225 = arith.constant 16 : i32
          %parallel_loop3A_226 = arith.muli %parallel_loop3A_214, %parallel_loop3A_225 : i32
          %parallel_loop3A_227 = arith.index_cast %parallel_loop3A_226 : i32 to index
          %parallel_loop3A_228 = tpu.vector_load %arg10[%parallel_loop3A_227] {strides = array<i32>} : memref<5376xf32, #tpu.memory_space<vmem>>, vector<16xf32>,
          %parallel_loop3A_229 = arith.constant 0 : i32
          %parallel_loop3A_230 = vector.broadcast %parallel_loop3A_229 : i32 to vector<16xi32>
          %parallel_loop3A_231 = arith.addi %parallel_loop3A_221, %parallel_loop3A_230 : vector<16xi32>
          %parallel_loop3A_232 = tpu.vector_load_idx %arg11[%parallel_loop3A_231] : memref<40000xf32, #tpu.memory_space<vmem>>[vector<16xi32>], vector<16xf32>,
          %parallel_loop3A_233 = arith.constant 0 : i32
          %parallel_loop3A_234 = vector.broadcast %parallel_loop3A_233 : i32 to vector<16xi32>
          %parallel_loop3A_235 = arith.addi %parallel_loop3A_224, %parallel_loop3A_234 : vector<16xi32>
          %parallel_loop3A_236 = arith.mulf %parallel_loop3A_232, %parallel_loop3A_228 : vector<16xf32>
          tpu.vector_store_idx %arg12[%parallel_loop3A_235], %parallel_loop3A_236 {add = true} : memref<40000xf32, #tpu.memory_space<vmem>>[vector<16xi32>], vector<16xf32>,
          %parallel_loop3A_237 = arith.constant 10000 : i32
          %parallel_loop3A_238 = vector.broadcast %parallel_loop3A_237 : i32 to vector<16xi32>
          %parallel_loop3A_239 = arith.addi %parallel_loop3A_221, %parallel_loop3A_238 : vector<16xi32>
          %parallel_loop3A_240 = tpu.vector_load_idx %arg11[%parallel_loop3A_239] : memref<40000xf32, #tpu.memory_space<vmem>>[vector<16xi32>], vector<16xf32>,
          %parallel_loop3A_241 = arith.constant 10000 : i32
          %parallel_loop3A_242 = vector.broadcast %parallel_loop3A_241 : i32 to vector<16xi32>
          %parallel_loop3A_243 = arith.addi %parallel_loop3A_224, %parallel_loop3A_242 : vector<16xi32>
          %parallel_loop3A_244 = arith.mulf %parallel_loop3A_240, %parallel_loop3A_228 : vector<16xf32>
          tpu.vector_store_idx %arg12[%parallel_loop3A_243], %parallel_loop3A_244 {add = true} : memref<40000xf32, #tpu.memory_space<vmem>>[vector<16xi32>], vector<16xf32>,
          %parallel_loop3A_245 = arith.constant 20000 : i32
          %parallel_loop3A_246 = vector.broadcast %parallel_loop3A_245 : i32 to vector<16xi32>
          %parallel_loop3A_247 = arith.addi %parallel_loop3A_221, %parallel_loop3A_246 : vector<16xi32>
          %parallel_loop3A_248 = tpu.vector_load_idx %arg11[%parallel_loop3A_247] : memref<40000xf32, #tpu.memory_space<vmem>>[vector<16xi32>], vector<16xf32>,
          %parallel_loop3A_249 = arith.constant 20000 : i32
          %parallel_loop3A_250 = vector.broadcast %parallel_loop3A_249 : i32 to vector<16xi32>
          %parallel_loop3A_251 = arith.addi %parallel_loop3A_224, %parallel_loop3A_250 : vector<16xi32>
          %parallel_loop3A_252 = arith.mulf %parallel_loop3A_248, %parallel_loop3A_228 : vector<16xf32>
          tpu.vector_store_idx %arg12[%parallel_loop3A_251], %parallel_loop3A_252 {add = true} : memref<40000xf32, #tpu.memory_space<vmem>>[vector<16xi32>], vector<16xf32>,
          %parallel_loop3A_253 = arith.constant 30000 : i32
          %parallel_loop3A_254 = vector.broadcast %parallel_loop3A_253 : i32 to vector<16xi32>
          %parallel_loop3A_255 = arith.addi %parallel_loop3A_221, %parallel_loop3A_254 : vector<16xi32>
          %parallel_loop3A_256 = tpu.vector_load_idx %arg11[%parallel_loop3A_255] : memref<40000xf32, #tpu.memory_space<vmem>>[vector<16xi32>], vector<16xf32>,
          %parallel_loop3A_257 = arith.constant 30000 : i32
          %parallel_loop3A_258 = vector.broadcast %parallel_loop3A_257 : i32 to vector<16xi32>
          %parallel_loop3A_259 = arith.addi %parallel_loop3A_224, %parallel_loop3A_258 : vector<16xi32>
          %parallel_loop3A_260 = arith.mulf %parallel_loop3A_256, %parallel_loop3A_228 : vector<16xf32>
          tpu.vector_store_idx %arg12[%parallel_loop3A_259], %parallel_loop3A_260 {add = true} : memref<40000xf32, #tpu.memory_space<vmem>>[vector<16xi32>], vector<16xf32>,
        } {sc.loop_unroll_factor = 2 : i64, sc.parallel_access}
        %scan3A_213 = arith.constant 0 : i32
        scf.yield %scan3A_213 : i32
      }
      %scan3A_166 = arith.constant 16 : i32
      "tpu.trace_stop"() : () -> ()
      "tpu.trace_start"() <{level = 10 : i32, message = "numout"}> : () -> ()
      %mul3A_167 = arith.constant 10000 : i32
      %mul3A_168 = arith.muli %mul3A_2, %mul3A_167 : i32
      "tpu.region"() ({
        %run_scoped3A = tpu.sem_alloc : memref<!tpu.dma_semaphore, #tpu.memory_space<semaphore_mem>>
        %dma_start3A_170 = tpu.memref_slice %arg5[%scan3A_13, %mul3A_168] : memref<24x1280000xf32, #tpu.memory_space<hbm>> -> memref<1x40000xf32, #tpu.memory_space<hbm>>
        %dma_start3A_171 = tpu.memref_squeeze %dma_start3A_170 : memref<1x40000xf32, #tpu.memory_space<hbm>> -> memref<40000xf32, #tpu.memory_space<hbm>>
        %dma_start3A_172 = tpu.memref_slice %arg5[%scan3A_13, %mul3A_168] : memref<24x1280000xf32, #tpu.memory_space<hbm>> -> memref<1x40000xf32, #tpu.memory_space<hbm>>
        %dma_start3A_173 = tpu.memref_squeeze %dma_start3A_172 : memref<1x40000xf32, #tpu.memory_space<hbm>> -> memref<40000xf32, #tpu.memory_space<hbm>>
        tpu.enqueue_dma source(%arg12 : memref<40000xf32, #tpu.memory_space<vmem>>) target(%dma_start3A_173 : memref<40000xf32, #tpu.memory_space<hbm>>) target_semaphore(%run_scoped3A : memref<!tpu.dma_semaphore, #tpu.memory_space<semaphore_mem>>)
        %dma_wait3A = tpu.memref_slice %arg5[%scan3A_13, %mul3A_168] : memref<24x1280000xf32, #tpu.memory_space<hbm>> -> memref<1x40000xf32, #tpu.memory_space<hbm>>
        %dma_wait3A_174 = tpu.memref_squeeze %dma_wait3A : memref<1x40000xf32, #tpu.memory_space<hbm>> -> memref<40000xf32, #tpu.memory_space<hbm>>
        %dma_wait3A_175 = tpu.memref_slice %arg5[%scan3A_13, %mul3A_168] : memref<24x1280000xf32, #tpu.memory_space<hbm>> -> memref<1x40000xf32, #tpu.memory_space<hbm>>
        %dma_wait3A_176 = tpu.memref_squeeze %dma_wait3A_175 : memref<1x40000xf32, #tpu.memory_space<hbm>> -> memref<40000xf32, #tpu.memory_space<hbm>>
        tpu.wait_dma2 semaphore(%run_scoped3A : memref<!tpu.dma_semaphore, #tpu.memory_space<semaphore_mem>>) src(%arg12 : memref<40000xf32, #tpu.memory_space<vmem>>) dst(%dma_wait3A_176 : memref<40000xf32, #tpu.memory_space<hbm>>)
        tpu.yield
      }) : () -> ()
      %barrier3A_169 = arith.constant 0 : index
      tpu.barrier barrier_id(%barrier3A_169)
      "tpu.trace_stop"() : () -> ()
    }
    %scan3A_12 = arith.constant 24 : i32
    return
  }
}

module attributes {stable_mosaic.version = 14 : i64} {
  func.func @body(%arg0: i32, %arg1: i32, %arg2: memref<1x12x1280x128xf32, #tpu.memory_space<vmem>>, %arg3: memref<128x128xf32, #tpu.memory_space<vmem>>, %arg4: memref<2x128xf32, #tpu.memory_space<vmem>>, %arg5: memref<1x12x128x1280xf32, #tpu.memory_space<vmem>>, %arg6: memref<1x12x2x1280xf32, #tpu.memory_space<vmem>>) attributes {dimension_semantics = [#tpu.dimension_semantics<arbitrary>, #tpu.dimension_semantics<arbitrary>], iteration_bounds = array<i64: 2, 8>, scalar_prefetch = 0 : i64, scratch_operands = 0 : i64, tpu.core_type = #tpu.core_type<tc>, window_params = [{transform_indices = @transform_0, window_bounds = array<i64: 1, 12, 1280, 128>}, {pipeline_mode = #tpu.pipeline_mode<synchronous>, transform_indices = @transform_1, window_bounds = array<i64: 128, 128>}, {pipeline_mode = #tpu.pipeline_mode<synchronous>, transform_indices = @transform_2, window_bounds = array<i64: 2, 128>}, {transform_indices = @transform_3, window_bounds = array<i64: 1, 12, 128, 1280>}, {transform_indices = @transform_4, window_bounds = array<i64: 1, 12, 2, 1280>}]} {
    %get3A = arith.constant 0 : index
    %get3A_0 = arith.constant 0 : index
    %get3A_1 = vector.load %arg3[%get3A, %get3A_0] : memref<128x128xf32, #tpu.memory_space<vmem>>, vector<128x128xf32>
    %get3A_2 = arith.constant 0 : index
    %get3A_3 = arith.constant 0 : index
    %get3A_4 = arith.constant 0 : index
    %get3A_5 = arith.constant 0 : index
    %get3A_6 = vector.load %arg2[%get3A_2, %get3A_3, %get3A_4, %get3A_5] : memref<1x12x1280x128xf32, #tpu.memory_space<vmem>>, vector<1x1x1280x128xf32>
    %get3A_7 = vector.shape_cast %get3A_6 : vector<1x1x1280x128xf32> to vector<1280x128xf32>
    %dot_general3A = arith.constant dense<0.000000e+00> : vector<128x1280xf32>
    %dot_general3A_8 = tpu.matmul %get3A_1, %get3A_7, %dot_general3A {dimension_numbers = #tpu.dot_dimension_numbers<[0], [1], [1], [0], [0, 1, 1, 0], [], []>, transpose_lhs_hint = false} : vector<128x128xf32>, vector<1280x128xf32>, vector<128x1280xf32> -> vector<128x1280xf32>
    %swap3A = arith.constant 0 : index
    %swap3A_9 = arith.constant 0 : index
    %swap3A_10 = arith.constant 0 : index
    %swap3A_11 = arith.constant 0 : index
    %swap3A_12 = vector.load %arg5[%swap3A, %swap3A_9, %swap3A_10, %swap3A_11] : memref<1x12x128x1280xf32, #tpu.memory_space<vmem>>, vector<1x1x128x1280xf32>
    %swap3A_13 = vector.shape_cast %swap3A_12 : vector<1x1x128x1280xf32> to vector<128x1280xf32>
    %swap3A_14 = vector.shape_cast %dot_general3A_8 : vector<128x1280xf32> to vector<1x1x128x1280xf32>
    tpu.vector_store %arg5[%swap3A, %swap3A_9, %swap3A_10, %swap3A_11], %swap3A_14 {strides = array<i32>} : memref<1x12x128x1280xf32, #tpu.memory_space<vmem>>, vector<1x1x128x1280xf32>,
    %get3A_15 = arith.constant 0 : index
    %get3A_16 = arith.constant 0 : index
    %get3A_17 = vector.load %arg4[%get3A_15, %get3A_16] : memref<2x128xf32, #tpu.memory_space<vmem>>, vector<2x128xf32>
    %dot_general3A_18 = arith.constant dense<0.000000e+00> : vector<2x1280xf32>
    %dot_general3A_19 = tpu.matmul %get3A_17, %dot_general3A_8, %dot_general3A_18 {dimension_numbers = #tpu.dot_dimension_numbers<[1], [0], [0], [1], [0, 0, 1, 1], [], []>, transpose_lhs_hint = false} : vector<2x128xf32>, vector<128x1280xf32>, vector<2x1280xf32> -> vector<2x1280xf32>
    %swap3A_20 = arith.constant 0 : index
    %swap3A_21 = arith.constant 0 : index
    %swap3A_22 = arith.constant 0 : index
    %swap3A_23 = arith.constant 0 : index
    %swap3A_24 = vector.load %arg6[%swap3A_20, %swap3A_21, %swap3A_22, %swap3A_23] : memref<1x12x2x1280xf32, #tpu.memory_space<vmem>>, vector<1x1x2x1280xf32>
    %swap3A_25 = vector.shape_cast %swap3A_24 : vector<1x1x2x1280xf32> to vector<2x1280xf32>
    %swap3A_26 = vector.shape_cast %dot_general3A_19 : vector<2x1280xf32> to vector<1x1x2x1280xf32>
    tpu.vector_store %arg6[%swap3A_20, %swap3A_21, %swap3A_22, %swap3A_23], %swap3A_26 {strides = array<i32>} : memref<1x12x2x1280xf32, #tpu.memory_space<vmem>>, vector<1x1x2x1280xf32>,
    %get3A_27 = arith.constant 0 : index
    %get3A_28 = arith.constant 1 : index
    %get3A_29 = arith.constant 0 : index
    %get3A_30 = arith.constant 0 : index
    %get3A_31 = vector.load %arg2[%get3A_27, %get3A_28, %get3A_29, %get3A_30] : memref<1x12x1280x128xf32, #tpu.memory_space<vmem>>, vector<1x1x1280x128xf32>
    %get3A_32 = vector.shape_cast %get3A_31 : vector<1x1x1280x128xf32> to vector<1280x128xf32>
    %dot_general3A_33 = arith.constant dense<0.000000e+00> : vector<128x1280xf32>
    %dot_general3A_34 = tpu.matmul %get3A_1, %get3A_32, %dot_general3A_33 {dimension_numbers = #tpu.dot_dimension_numbers<[0], [1], [1], [0], [0, 1, 1, 0], [], []>, transpose_lhs_hint = false} : vector<128x128xf32>, vector<1280x128xf32>, vector<128x1280xf32> -> vector<128x1280xf32>
    %swap3A_35 = arith.constant 0 : index
    %swap3A_36 = arith.constant 1 : index
    %swap3A_37 = arith.constant 0 : index
    %swap3A_38 = arith.constant 0 : index
    %swap3A_39 = vector.load %arg5[%swap3A_35, %swap3A_36, %swap3A_37, %swap3A_38] : memref<1x12x128x1280xf32, #tpu.memory_space<vmem>>, vector<1x1x128x1280xf32>
    %swap3A_40 = vector.shape_cast %swap3A_39 : vector<1x1x128x1280xf32> to vector<128x1280xf32>
    %swap3A_41 = vector.shape_cast %dot_general3A_34 : vector<128x1280xf32> to vector<1x1x128x1280xf32>
    tpu.vector_store %arg5[%swap3A_35, %swap3A_36, %swap3A_37, %swap3A_38], %swap3A_41 {strides = array<i32>} : memref<1x12x128x1280xf32, #tpu.memory_space<vmem>>, vector<1x1x128x1280xf32>,
    %get3A_42 = arith.constant 0 : index
    %get3A_43 = arith.constant 0 : index
    %get3A_44 = vector.load %arg4[%get3A_42, %get3A_43] : memref<2x128xf32, #tpu.memory_space<vmem>>, vector<2x128xf32>
    %dot_general3A_45 = arith.constant dense<0.000000e+00> : vector<2x1280xf32>
    %dot_general3A_46 = tpu.matmul %get3A_44, %dot_general3A_34, %dot_general3A_45 {dimension_numbers = #tpu.dot_dimension_numbers<[1], [0], [0], [1], [0, 0, 1, 1], [], []>, transpose_lhs_hint = false} : vector<2x128xf32>, vector<128x1280xf32>, vector<2x1280xf32> -> vector<2x1280xf32>
    %swap3A_47 = arith.constant 0 : index
    %swap3A_48 = arith.constant 1 : index
    %swap3A_49 = arith.constant 0 : index
    %swap3A_50 = arith.constant 0 : index
    %swap3A_51 = vector.load %arg6[%swap3A_47, %swap3A_48, %swap3A_49, %swap3A_50] : memref<1x12x2x1280xf32, #tpu.memory_space<vmem>>, vector<1x1x2x1280xf32>
    %swap3A_52 = vector.shape_cast %swap3A_51 : vector<1x1x2x1280xf32> to vector<2x1280xf32>
    %swap3A_53 = vector.shape_cast %dot_general3A_46 : vector<2x1280xf32> to vector<1x1x2x1280xf32>
    tpu.vector_store %arg6[%swap3A_47, %swap3A_48, %swap3A_49, %swap3A_50], %swap3A_53 {strides = array<i32>} : memref<1x12x2x1280xf32, #tpu.memory_space<vmem>>, vector<1x1x2x1280xf32>,
    %get3A_54 = arith.constant 0 : index
    %get3A_55 = arith.constant 2 : index
    %get3A_56 = arith.constant 0 : index
    %get3A_57 = arith.constant 0 : index
    %get3A_58 = vector.load %arg2[%get3A_54, %get3A_55, %get3A_56, %get3A_57] : memref<1x12x1280x128xf32, #tpu.memory_space<vmem>>, vector<1x1x1280x128xf32>
    %get3A_59 = vector.shape_cast %get3A_58 : vector<1x1x1280x128xf32> to vector<1280x128xf32>
    %dot_general3A_60 = arith.constant dense<0.000000e+00> : vector<128x1280xf32>
    %dot_general3A_61 = tpu.matmul %get3A_1, %get3A_59, %dot_general3A_60 {dimension_numbers = #tpu.dot_dimension_numbers<[0], [1], [1], [0], [0, 1, 1, 0], [], []>, transpose_lhs_hint = false} : vector<128x128xf32>, vector<1280x128xf32>, vector<128x1280xf32> -> vector<128x1280xf32>
    %swap3A_62 = arith.constant 0 : index
    %swap3A_63 = arith.constant 2 : index
    %swap3A_64 = arith.constant 0 : index
    %swap3A_65 = arith.constant 0 : index
    %swap3A_66 = vector.load %arg5[%swap3A_62, %swap3A_63, %swap3A_64, %swap3A_65] : memref<1x12x128x1280xf32, #tpu.memory_space<vmem>>, vector<1x1x128x1280xf32>
    %swap3A_67 = vector.shape_cast %swap3A_66 : vector<1x1x128x1280xf32> to vector<128x1280xf32>
    %swap3A_68 = vector.shape_cast %dot_general3A_61 : vector<128x1280xf32> to vector<1x1x128x1280xf32>
    tpu.vector_store %arg5[%swap3A_62, %swap3A_63, %swap3A_64, %swap3A_65], %swap3A_68 {strides = array<i32>} : memref<1x12x128x1280xf32, #tpu.memory_space<vmem>>, vector<1x1x128x1280xf32>,
    %get3A_69 = arith.constant 0 : index
    %get3A_70 = arith.constant 0 : index
    %get3A_71 = vector.load %arg4[%get3A_69, %get3A_70] : memref<2x128xf32, #tpu.memory_space<vmem>>, vector<2x128xf32>
    %dot_general3A_72 = arith.constant dense<0.000000e+00> : vector<2x1280xf32>
    %dot_general3A_73 = tpu.matmul %get3A_71, %dot_general3A_61, %dot_general3A_72 {dimension_numbers = #tpu.dot_dimension_numbers<[1], [0], [0], [1], [0, 0, 1, 1], [], []>, transpose_lhs_hint = false} : vector<2x128xf32>, vector<128x1280xf32>, vector<2x1280xf32> -> vector<2x1280xf32>
    %swap3A_74 = arith.constant 0 : index
    %swap3A_75 = arith.constant 2 : index
    %swap3A_76 = arith.constant 0 : index
    %swap3A_77 = arith.constant 0 : index
    %swap3A_78 = vector.load %arg6[%swap3A_74, %swap3A_75, %swap3A_76, %swap3A_77] : memref<1x12x2x1280xf32, #tpu.memory_space<vmem>>, vector<1x1x2x1280xf32>
    %swap3A_79 = vector.shape_cast %swap3A_78 : vector<1x1x2x1280xf32> to vector<2x1280xf32>
    %swap3A_80 = vector.shape_cast %dot_general3A_73 : vector<2x1280xf32> to vector<1x1x2x1280xf32>
    tpu.vector_store %arg6[%swap3A_74, %swap3A_75, %swap3A_76, %swap3A_77], %swap3A_80 {strides = array<i32>} : memref<1x12x2x1280xf32, #tpu.memory_space<vmem>>, vector<1x1x2x1280xf32>,
    %get3A_81 = arith.constant 0 : index
    %get3A_82 = arith.constant 3 : index
    %get3A_83 = arith.constant 0 : index
    %get3A_84 = arith.constant 0 : index
    %get3A_85 = vector.load %arg2[%get3A_81, %get3A_82, %get3A_83, %get3A_84] : memref<1x12x1280x128xf32, #tpu.memory_space<vmem>>, vector<1x1x1280x128xf32>
    %get3A_86 = vector.shape_cast %get3A_85 : vector<1x1x1280x128xf32> to vector<1280x128xf32>
    %dot_general3A_87 = arith.constant dense<0.000000e+00> : vector<128x1280xf32>
    %dot_general3A_88 = tpu.matmul %get3A_1, %get3A_86, %dot_general3A_87 {dimension_numbers = #tpu.dot_dimension_numbers<[0], [1], [1], [0], [0, 1, 1, 0], [], []>, transpose_lhs_hint = false} : vector<128x128xf32>, vector<1280x128xf32>, vector<128x1280xf32> -> vector<128x1280xf32>
    %swap3A_89 = arith.constant 0 : index
    %swap3A_90 = arith.constant 3 : index
    %swap3A_91 = arith.constant 0 : index
    %swap3A_92 = arith.constant 0 : index
    %swap3A_93 = vector.load %arg5[%swap3A_89, %swap3A_90, %swap3A_91, %swap3A_92] : memref<1x12x128x1280xf32, #tpu.memory_space<vmem>>, vector<1x1x128x1280xf32>
    %swap3A_94 = vector.shape_cast %swap3A_93 : vector<1x1x128x1280xf32> to vector<128x1280xf32>
    %swap3A_95 = vector.shape_cast %dot_general3A_88 : vector<128x1280xf32> to vector<1x1x128x1280xf32>
    tpu.vector_store %arg5[%swap3A_89, %swap3A_90, %swap3A_91, %swap3A_92], %swap3A_95 {strides = array<i32>} : memref<1x12x128x1280xf32, #tpu.memory_space<vmem>>, vector<1x1x128x1280xf32>,
    %get3A_96 = arith.constant 0 : index
    %get3A_97 = arith.constant 0 : index
    %get3A_98 = vector.load %arg4[%get3A_96, %get3A_97] : memref<2x128xf32, #tpu.memory_space<vmem>>, vector<2x128xf32>
    %dot_general3A_99 = arith.constant dense<0.000000e+00> : vector<2x1280xf32>
    %dot_general3A_100 = tpu.matmul %get3A_98, %dot_general3A_88, %dot_general3A_99 {dimension_numbers = #tpu.dot_dimension_numbers<[1], [0], [0], [1], [0, 0, 1, 1], [], []>, transpose_lhs_hint = false} : vector<2x128xf32>, vector<128x1280xf32>, vector<2x1280xf32> -> vector<2x1280xf32>
    %swap3A_101 = arith.constant 0 : index
    %swap3A_102 = arith.constant 3 : index
    %swap3A_103 = arith.constant 0 : index
    %swap3A_104 = arith.constant 0 : index
    %swap3A_105 = vector.load %arg6[%swap3A_101, %swap3A_102, %swap3A_103, %swap3A_104] : memref<1x12x2x1280xf32, #tpu.memory_space<vmem>>, vector<1x1x2x1280xf32>
    %swap3A_106 = vector.shape_cast %swap3A_105 : vector<1x1x2x1280xf32> to vector<2x1280xf32>
    %swap3A_107 = vector.shape_cast %dot_general3A_100 : vector<2x1280xf32> to vector<1x1x2x1280xf32>
    tpu.vector_store %arg6[%swap3A_101, %swap3A_102, %swap3A_103, %swap3A_104], %swap3A_107 {strides = array<i32>} : memref<1x12x2x1280xf32, #tpu.memory_space<vmem>>, vector<1x1x2x1280xf32>,
    %get3A_108 = arith.constant 0 : index
    %get3A_109 = arith.constant 4 : index
    %get3A_110 = arith.constant 0 : index
    %get3A_111 = arith.constant 0 : index
    %get3A_112 = vector.load %arg2[%get3A_108, %get3A_109, %get3A_110, %get3A_111] : memref<1x12x1280x128xf32, #tpu.memory_space<vmem>>, vector<1x1x1280x128xf32>
    %get3A_113 = vector.shape_cast %get3A_112 : vector<1x1x1280x128xf32> to vector<1280x128xf32>
    %dot_general3A_114 = arith.constant dense<0.000000e+00> : vector<128x1280xf32>
    %dot_general3A_115 = tpu.matmul %get3A_1, %get3A_113, %dot_general3A_114 {dimension_numbers = #tpu.dot_dimension_numbers<[0], [1], [1], [0], [0, 1, 1, 0], [], []>, transpose_lhs_hint = false} : vector<128x128xf32>, vector<1280x128xf32>, vector<128x1280xf32> -> vector<128x1280xf32>
    %swap3A_116 = arith.constant 0 : index
    %swap3A_117 = arith.constant 4 : index
    %swap3A_118 = arith.constant 0 : index
    %swap3A_119 = arith.constant 0 : index
    %swap3A_120 = vector.load %arg5[%swap3A_116, %swap3A_117, %swap3A_118, %swap3A_119] : memref<1x12x128x1280xf32, #tpu.memory_space<vmem>>, vector<1x1x128x1280xf32>
    %swap3A_121 = vector.shape_cast %swap3A_120 : vector<1x1x128x1280xf32> to vector<128x1280xf32>
    %swap3A_122 = vector.shape_cast %dot_general3A_115 : vector<128x1280xf32> to vector<1x1x128x1280xf32>
    tpu.vector_store %arg5[%swap3A_116, %swap3A_117, %swap3A_118, %swap3A_119], %swap3A_122 {strides = array<i32>} : memref<1x12x128x1280xf32, #tpu.memory_space<vmem>>, vector<1x1x128x1280xf32>,
    %get3A_123 = arith.constant 0 : index
    %get3A_124 = arith.constant 0 : index
    %get3A_125 = vector.load %arg4[%get3A_123, %get3A_124] : memref<2x128xf32, #tpu.memory_space<vmem>>, vector<2x128xf32>
    %dot_general3A_126 = arith.constant dense<0.000000e+00> : vector<2x1280xf32>
    %dot_general3A_127 = tpu.matmul %get3A_125, %dot_general3A_115, %dot_general3A_126 {dimension_numbers = #tpu.dot_dimension_numbers<[1], [0], [0], [1], [0, 0, 1, 1], [], []>, transpose_lhs_hint = false} : vector<2x128xf32>, vector<128x1280xf32>, vector<2x1280xf32> -> vector<2x1280xf32>
    %swap3A_128 = arith.constant 0 : index
    %swap3A_129 = arith.constant 4 : index
    %swap3A_130 = arith.constant 0 : index
    %swap3A_131 = arith.constant 0 : index
    %swap3A_132 = vector.load %arg6[%swap3A_128, %swap3A_129, %swap3A_130, %swap3A_131] : memref<1x12x2x1280xf32, #tpu.memory_space<vmem>>, vector<1x1x2x1280xf32>
    %swap3A_133 = vector.shape_cast %swap3A_132 : vector<1x1x2x1280xf32> to vector<2x1280xf32>
    %swap3A_134 = vector.shape_cast %dot_general3A_127 : vector<2x1280xf32> to vector<1x1x2x1280xf32>
    tpu.vector_store %arg6[%swap3A_128, %swap3A_129, %swap3A_130, %swap3A_131], %swap3A_134 {strides = array<i32>} : memref<1x12x2x1280xf32, #tpu.memory_space<vmem>>, vector<1x1x2x1280xf32>,
    %get3A_135 = arith.constant 0 : index
    %get3A_136 = arith.constant 5 : index
    %get3A_137 = arith.constant 0 : index
    %get3A_138 = arith.constant 0 : index
    %get3A_139 = vector.load %arg2[%get3A_135, %get3A_136, %get3A_137, %get3A_138] : memref<1x12x1280x128xf32, #tpu.memory_space<vmem>>, vector<1x1x1280x128xf32>
    %get3A_140 = vector.shape_cast %get3A_139 : vector<1x1x1280x128xf32> to vector<1280x128xf32>
    %dot_general3A_141 = arith.constant dense<0.000000e+00> : vector<128x1280xf32>
    %dot_general3A_142 = tpu.matmul %get3A_1, %get3A_140, %dot_general3A_141 {dimension_numbers = #tpu.dot_dimension_numbers<[0], [1], [1], [0], [0, 1, 1, 0], [], []>, transpose_lhs_hint = false} : vector<128x128xf32>, vector<1280x128xf32>, vector<128x1280xf32> -> vector<128x1280xf32>
    %swap3A_143 = arith.constant 0 : index
    %swap3A_144 = arith.constant 5 : index
    %swap3A_145 = arith.constant 0 : index
    %swap3A_146 = arith.constant 0 : index
    %swap3A_147 = vector.load %arg5[%swap3A_143, %swap3A_144, %swap3A_145, %swap3A_146] : memref<1x12x128x1280xf32, #tpu.memory_space<vmem>>, vector<1x1x128x1280xf32>
    %swap3A_148 = vector.shape_cast %swap3A_147 : vector<1x1x128x1280xf32> to vector<128x1280xf32>
    %swap3A_149 = vector.shape_cast %dot_general3A_142 : vector<128x1280xf32> to vector<1x1x128x1280xf32>
    tpu.vector_store %arg5[%swap3A_143, %swap3A_144, %swap3A_145, %swap3A_146], %swap3A_149 {strides = array<i32>} : memref<1x12x128x1280xf32, #tpu.memory_space<vmem>>, vector<1x1x128x1280xf32>,
    %get3A_150 = arith.constant 0 : index
    %get3A_151 = arith.constant 0 : index
    %get3A_152 = vector.load %arg4[%get3A_150, %get3A_151] : memref<2x128xf32, #tpu.memory_space<vmem>>, vector<2x128xf32>
    %dot_general3A_153 = arith.constant dense<0.000000e+00> : vector<2x1280xf32>
    %dot_general3A_154 = tpu.matmul %get3A_152, %dot_general3A_142, %dot_general3A_153 {dimension_numbers = #tpu.dot_dimension_numbers<[1], [0], [0], [1], [0, 0, 1, 1], [], []>, transpose_lhs_hint = false} : vector<2x128xf32>, vector<128x1280xf32>, vector<2x1280xf32> -> vector<2x1280xf32>
    %swap3A_155 = arith.constant 0 : index
    %swap3A_156 = arith.constant 5 : index
    %swap3A_157 = arith.constant 0 : index
    %swap3A_158 = arith.constant 0 : index
    %swap3A_159 = vector.load %arg6[%swap3A_155, %swap3A_156, %swap3A_157, %swap3A_158] : memref<1x12x2x1280xf32, #tpu.memory_space<vmem>>, vector<1x1x2x1280xf32>
    %swap3A_160 = vector.shape_cast %swap3A_159 : vector<1x1x2x1280xf32> to vector<2x1280xf32>
    %swap3A_161 = vector.shape_cast %dot_general3A_154 : vector<2x1280xf32> to vector<1x1x2x1280xf32>
    tpu.vector_store %arg6[%swap3A_155, %swap3A_156, %swap3A_157, %swap3A_158], %swap3A_161 {strides = array<i32>} : memref<1x12x2x1280xf32, #tpu.memory_space<vmem>>, vector<1x1x2x1280xf32>,
    %get3A_162 = arith.constant 0 : index
    %get3A_163 = arith.constant 6 : index
    %get3A_164 = arith.constant 0 : index
    %get3A_165 = arith.constant 0 : index
    %get3A_166 = vector.load %arg2[%get3A_162, %get3A_163, %get3A_164, %get3A_165] : memref<1x12x1280x128xf32, #tpu.memory_space<vmem>>, vector<1x1x1280x128xf32>
    %get3A_167 = vector.shape_cast %get3A_166 : vector<1x1x1280x128xf32> to vector<1280x128xf32>
    %dot_general3A_168 = arith.constant dense<0.000000e+00> : vector<128x1280xf32>
    %dot_general3A_169 = tpu.matmul %get3A_1, %get3A_167, %dot_general3A_168 {dimension_numbers = #tpu.dot_dimension_numbers<[0], [1], [1], [0], [0, 1, 1, 0], [], []>, transpose_lhs_hint = false} : vector<128x128xf32>, vector<1280x128xf32>, vector<128x1280xf32> -> vector<128x1280xf32>
    %swap3A_170 = arith.constant 0 : index
    %swap3A_171 = arith.constant 6 : index
    %swap3A_172 = arith.constant 0 : index
    %swap3A_173 = arith.constant 0 : index
    %swap3A_174 = vector.load %arg5[%swap3A_170, %swap3A_171, %swap3A_172, %swap3A_173] : memref<1x12x128x1280xf32, #tpu.memory_space<vmem>>, vector<1x1x128x1280xf32>
    %swap3A_175 = vector.shape_cast %swap3A_174 : vector<1x1x128x1280xf32> to vector<128x1280xf32>
    %swap3A_176 = vector.shape_cast %dot_general3A_169 : vector<128x1280xf32> to vector<1x1x128x1280xf32>
    tpu.vector_store %arg5[%swap3A_170, %swap3A_171, %swap3A_172, %swap3A_173], %swap3A_176 {strides = array<i32>} : memref<1x12x128x1280xf32, #tpu.memory_space<vmem>>, vector<1x1x128x1280xf32>,
    %get3A_177 = arith.constant 0 : index
    %get3A_178 = arith.constant 0 : index
    %get3A_179 = vector.load %arg4[%get3A_177, %get3A_178] : memref<2x128xf32, #tpu.memory_space<vmem>>, vector<2x128xf32>
    %dot_general3A_180 = arith.constant dense<0.000000e+00> : vector<2x1280xf32>
    %dot_general3A_181 = tpu.matmul %get3A_179, %dot_general3A_169, %dot_general3A_180 {dimension_numbers = #tpu.dot_dimension_numbers<[1], [0], [0], [1], [0, 0, 1, 1], [], []>, transpose_lhs_hint = false} : vector<2x128xf32>, vector<128x1280xf32>, vector<2x1280xf32> -> vector<2x1280xf32>
    %swap3A_182 = arith.constant 0 : index
    %swap3A_183 = arith.constant 6 : index
    %swap3A_184 = arith.constant 0 : index
    %swap3A_185 = arith.constant 0 : index
    %swap3A_186 = vector.load %arg6[%swap3A_182, %swap3A_183, %swap3A_184, %swap3A_185] : memref<1x12x2x1280xf32, #tpu.memory_space<vmem>>, vector<1x1x2x1280xf32>
    %swap3A_187 = vector.shape_cast %swap3A_186 : vector<1x1x2x1280xf32> to vector<2x1280xf32>
    %swap3A_188 = vector.shape_cast %dot_general3A_181 : vector<2x1280xf32> to vector<1x1x2x1280xf32>
    tpu.vector_store %arg6[%swap3A_182, %swap3A_183, %swap3A_184, %swap3A_185], %swap3A_188 {strides = array<i32>} : memref<1x12x2x1280xf32, #tpu.memory_space<vmem>>, vector<1x1x2x1280xf32>,
    %get3A_189 = arith.constant 0 : index
    %get3A_190 = arith.constant 7 : index
    %get3A_191 = arith.constant 0 : index
    %get3A_192 = arith.constant 0 : index
    %get3A_193 = vector.load %arg2[%get3A_189, %get3A_190, %get3A_191, %get3A_192] : memref<1x12x1280x128xf32, #tpu.memory_space<vmem>>, vector<1x1x1280x128xf32>
    %get3A_194 = vector.shape_cast %get3A_193 : vector<1x1x1280x128xf32> to vector<1280x128xf32>
    %dot_general3A_195 = arith.constant dense<0.000000e+00> : vector<128x1280xf32>
    %dot_general3A_196 = tpu.matmul %get3A_1, %get3A_194, %dot_general3A_195 {dimension_numbers = #tpu.dot_dimension_numbers<[0], [1], [1], [0], [0, 1, 1, 0], [], []>, transpose_lhs_hint = false} : vector<128x128xf32>, vector<1280x128xf32>, vector<128x1280xf32> -> vector<128x1280xf32>
    %swap3A_197 = arith.constant 0 : index
    %swap3A_198 = arith.constant 7 : index
    %swap3A_199 = arith.constant 0 : index
    %swap3A_200 = arith.constant 0 : index
    %swap3A_201 = vector.load %arg5[%swap3A_197, %swap3A_198, %swap3A_199, %swap3A_200] : memref<1x12x128x1280xf32, #tpu.memory_space<vmem>>, vector<1x1x128x1280xf32>
    %swap3A_202 = vector.shape_cast %swap3A_201 : vector<1x1x128x1280xf32> to vector<128x1280xf32>
    %swap3A_203 = vector.shape_cast %dot_general3A_196 : vector<128x1280xf32> to vector<1x1x128x1280xf32>
    tpu.vector_store %arg5[%swap3A_197, %swap3A_198, %swap3A_199, %swap3A_200], %swap3A_203 {strides = array<i32>} : memref<1x12x128x1280xf32, #tpu.memory_space<vmem>>, vector<1x1x128x1280xf32>,
    %get3A_204 = arith.constant 0 : index
    %get3A_205 = arith.constant 0 : index
    %get3A_206 = vector.load %arg4[%get3A_204, %get3A_205] : memref<2x128xf32, #tpu.memory_space<vmem>>, vector<2x128xf32>
    %dot_general3A_207 = arith.constant dense<0.000000e+00> : vector<2x1280xf32>
    %dot_general3A_208 = tpu.matmul %get3A_206, %dot_general3A_196, %dot_general3A_207 {dimension_numbers = #tpu.dot_dimension_numbers<[1], [0], [0], [1], [0, 0, 1, 1], [], []>, transpose_lhs_hint = false} : vector<2x128xf32>, vector<128x1280xf32>, vector<2x1280xf32> -> vector<2x1280xf32>
    %swap3A_209 = arith.constant 0 : index
    %swap3A_210 = arith.constant 7 : index
    %swap3A_211 = arith.constant 0 : index
    %swap3A_212 = arith.constant 0 : index
    %swap3A_213 = vector.load %arg6[%swap3A_209, %swap3A_210, %swap3A_211, %swap3A_212] : memref<1x12x2x1280xf32, #tpu.memory_space<vmem>>, vector<1x1x2x1280xf32>
    %swap3A_214 = vector.shape_cast %swap3A_213 : vector<1x1x2x1280xf32> to vector<2x1280xf32>
    %swap3A_215 = vector.shape_cast %dot_general3A_208 : vector<2x1280xf32> to vector<1x1x2x1280xf32>
    tpu.vector_store %arg6[%swap3A_209, %swap3A_210, %swap3A_211, %swap3A_212], %swap3A_215 {strides = array<i32>} : memref<1x12x2x1280xf32, #tpu.memory_space<vmem>>, vector<1x1x2x1280xf32>,
    %get3A_216 = arith.constant 0 : index
    %get3A_217 = arith.constant 8 : index
    %get3A_218 = arith.constant 0 : index
    %get3A_219 = arith.constant 0 : index
    %get3A_220 = vector.load %arg2[%get3A_216, %get3A_217, %get3A_218, %get3A_219] : memref<1x12x1280x128xf32, #tpu.memory_space<vmem>>, vector<1x1x1280x128xf32>
    %get3A_221 = vector.shape_cast %get3A_220 : vector<1x1x1280x128xf32> to vector<1280x128xf32>
    %dot_general3A_222 = arith.constant dense<0.000000e+00> : vector<128x1280xf32>
    %dot_general3A_223 = tpu.matmul %get3A_1, %get3A_221, %dot_general3A_222 {dimension_numbers = #tpu.dot_dimension_numbers<[0], [1], [1], [0], [0, 1, 1, 0], [], []>, transpose_lhs_hint = false} : vector<128x128xf32>, vector<1280x128xf32>, vector<128x1280xf32> -> vector<128x1280xf32>
    %swap3A_224 = arith.constant 0 : index
    %swap3A_225 = arith.constant 8 : index
    %swap3A_226 = arith.constant 0 : index
    %swap3A_227 = arith.constant 0 : index
    %swap3A_228 = vector.load %arg5[%swap3A_224, %swap3A_225, %swap3A_226, %swap3A_227] : memref<1x12x128x1280xf32, #tpu.memory_space<vmem>>, vector<1x1x128x1280xf32>
    %swap3A_229 = vector.shape_cast %swap3A_228 : vector<1x1x128x1280xf32> to vector<128x1280xf32>
    %swap3A_230 = vector.shape_cast %dot_general3A_223 : vector<128x1280xf32> to vector<1x1x128x1280xf32>
    tpu.vector_store %arg5[%swap3A_224, %swap3A_225, %swap3A_226, %swap3A_227], %swap3A_230 {strides = array<i32>} : memref<1x12x128x1280xf32, #tpu.memory_space<vmem>>, vector<1x1x128x1280xf32>,
    %get3A_231 = arith.constant 0 : index
    %get3A_232 = arith.constant 0 : index
    %get3A_233 = vector.load %arg4[%get3A_231, %get3A_232] : memref<2x128xf32, #tpu.memory_space<vmem>>, vector<2x128xf32>
    %dot_general3A_234 = arith.constant dense<0.000000e+00> : vector<2x1280xf32>
    %dot_general3A_235 = tpu.matmul %get3A_233, %dot_general3A_223, %dot_general3A_234 {dimension_numbers = #tpu.dot_dimension_numbers<[1], [0], [0], [1], [0, 0, 1, 1], [], []>, transpose_lhs_hint = false} : vector<2x128xf32>, vector<128x1280xf32>, vector<2x1280xf32> -> vector<2x1280xf32>
    %swap3A_236 = arith.constant 0 : index
    %swap3A_237 = arith.constant 8 : index
    %swap3A_238 = arith.constant 0 : index
    %swap3A_239 = arith.constant 0 : index
    %swap3A_240 = vector.load %arg6[%swap3A_236, %swap3A_237, %swap3A_238, %swap3A_239] : memref<1x12x2x1280xf32, #tpu.memory_space<vmem>>, vector<1x1x2x1280xf32>
    %swap3A_241 = vector.shape_cast %swap3A_240 : vector<1x1x2x1280xf32> to vector<2x1280xf32>
    %swap3A_242 = vector.shape_cast %dot_general3A_235 : vector<2x1280xf32> to vector<1x1x2x1280xf32>
    tpu.vector_store %arg6[%swap3A_236, %swap3A_237, %swap3A_238, %swap3A_239], %swap3A_242 {strides = array<i32>} : memref<1x12x2x1280xf32, #tpu.memory_space<vmem>>, vector<1x1x2x1280xf32>,
    %get3A_243 = arith.constant 0 : index
    %get3A_244 = arith.constant 9 : index
    %get3A_245 = arith.constant 0 : index
    %get3A_246 = arith.constant 0 : index
    %get3A_247 = vector.load %arg2[%get3A_243, %get3A_244, %get3A_245, %get3A_246] : memref<1x12x1280x128xf32, #tpu.memory_space<vmem>>, vector<1x1x1280x128xf32>
    %get3A_248 = vector.shape_cast %get3A_247 : vector<1x1x1280x128xf32> to vector<1280x128xf32>
    %dot_general3A_249 = arith.constant dense<0.000000e+00> : vector<128x1280xf32>
    %dot_general3A_250 = tpu.matmul %get3A_1, %get3A_248, %dot_general3A_249 {dimension_numbers = #tpu.dot_dimension_numbers<[0], [1], [1], [0], [0, 1, 1, 0], [], []>, transpose_lhs_hint = false} : vector<128x128xf32>, vector<1280x128xf32>, vector<128x1280xf32> -> vector<128x1280xf32>
    %swap3A_251 = arith.constant 0 : index
    %swap3A_252 = arith.constant 9 : index
    %swap3A_253 = arith.constant 0 : index
    %swap3A_254 = arith.constant 0 : index
    %swap3A_255 = vector.load %arg5[%swap3A_251, %swap3A_252, %swap3A_253, %swap3A_254] : memref<1x12x128x1280xf32, #tpu.memory_space<vmem>>, vector<1x1x128x1280xf32>
    %swap3A_256 = vector.shape_cast %swap3A_255 : vector<1x1x128x1280xf32> to vector<128x1280xf32>
    %swap3A_257 = vector.shape_cast %dot_general3A_250 : vector<128x1280xf32> to vector<1x1x128x1280xf32>
    tpu.vector_store %arg5[%swap3A_251, %swap3A_252, %swap3A_253, %swap3A_254], %swap3A_257 {strides = array<i32>} : memref<1x12x128x1280xf32, #tpu.memory_space<vmem>>, vector<1x1x128x1280xf32>,
    %get3A_258 = arith.constant 0 : index
    %get3A_259 = arith.constant 0 : index
    %get3A_260 = vector.load %arg4[%get3A_258, %get3A_259] : memref<2x128xf32, #tpu.memory_space<vmem>>, vector<2x128xf32>
    %dot_general3A_261 = arith.constant dense<0.000000e+00> : vector<2x1280xf32>
    %dot_general3A_262 = tpu.matmul %get3A_260, %dot_general3A_250, %dot_general3A_261 {dimension_numbers = #tpu.dot_dimension_numbers<[1], [0], [0], [1], [0, 0, 1, 1], [], []>, transpose_lhs_hint = false} : vector<2x128xf32>, vector<128x1280xf32>, vector<2x1280xf32> -> vector<2x1280xf32>
    %swap3A_263 = arith.constant 0 : index
    %swap3A_264 = arith.constant 9 : index
    %swap3A_265 = arith.constant 0 : index
    %swap3A_266 = arith.constant 0 : index
    %swap3A_267 = vector.load %arg6[%swap3A_263, %swap3A_264, %swap3A_265, %swap3A_266] : memref<1x12x2x1280xf32, #tpu.memory_space<vmem>>, vector<1x1x2x1280xf32>
    %swap3A_268 = vector.shape_cast %swap3A_267 : vector<1x1x2x1280xf32> to vector<2x1280xf32>
    %swap3A_269 = vector.shape_cast %dot_general3A_262 : vector<2x1280xf32> to vector<1x1x2x1280xf32>
    tpu.vector_store %arg6[%swap3A_263, %swap3A_264, %swap3A_265, %swap3A_266], %swap3A_269 {strides = array<i32>} : memref<1x12x2x1280xf32, #tpu.memory_space<vmem>>, vector<1x1x2x1280xf32>,
    %get3A_270 = arith.constant 0 : index
    %get3A_271 = arith.constant 10 : index
    %get3A_272 = arith.constant 0 : index
    %get3A_273 = arith.constant 0 : index
    %get3A_274 = vector.load %arg2[%get3A_270, %get3A_271, %get3A_272, %get3A_273] : memref<1x12x1280x128xf32, #tpu.memory_space<vmem>>, vector<1x1x1280x128xf32>
    %get3A_275 = vector.shape_cast %get3A_274 : vector<1x1x1280x128xf32> to vector<1280x128xf32>
    %dot_general3A_276 = arith.constant dense<0.000000e+00> : vector<128x1280xf32>
    %dot_general3A_277 = tpu.matmul %get3A_1, %get3A_275, %dot_general3A_276 {dimension_numbers = #tpu.dot_dimension_numbers<[0], [1], [1], [0], [0, 1, 1, 0], [], []>, transpose_lhs_hint = false} : vector<128x128xf32>, vector<1280x128xf32>, vector<128x1280xf32> -> vector<128x1280xf32>
    %swap3A_278 = arith.constant 0 : index
    %swap3A_279 = arith.constant 10 : index
    %swap3A_280 = arith.constant 0 : index
    %swap3A_281 = arith.constant 0 : index
    %swap3A_282 = vector.load %arg5[%swap3A_278, %swap3A_279, %swap3A_280, %swap3A_281] : memref<1x12x128x1280xf32, #tpu.memory_space<vmem>>, vector<1x1x128x1280xf32>
    %swap3A_283 = vector.shape_cast %swap3A_282 : vector<1x1x128x1280xf32> to vector<128x1280xf32>
    %swap3A_284 = vector.shape_cast %dot_general3A_277 : vector<128x1280xf32> to vector<1x1x128x1280xf32>
    tpu.vector_store %arg5[%swap3A_278, %swap3A_279, %swap3A_280, %swap3A_281], %swap3A_284 {strides = array<i32>} : memref<1x12x128x1280xf32, #tpu.memory_space<vmem>>, vector<1x1x128x1280xf32>,
    %get3A_285 = arith.constant 0 : index
    %get3A_286 = arith.constant 0 : index
    %get3A_287 = vector.load %arg4[%get3A_285, %get3A_286] : memref<2x128xf32, #tpu.memory_space<vmem>>, vector<2x128xf32>
    %dot_general3A_288 = arith.constant dense<0.000000e+00> : vector<2x1280xf32>
    %dot_general3A_289 = tpu.matmul %get3A_287, %dot_general3A_277, %dot_general3A_288 {dimension_numbers = #tpu.dot_dimension_numbers<[1], [0], [0], [1], [0, 0, 1, 1], [], []>, transpose_lhs_hint = false} : vector<2x128xf32>, vector<128x1280xf32>, vector<2x1280xf32> -> vector<2x1280xf32>
    %swap3A_290 = arith.constant 0 : index
    %swap3A_291 = arith.constant 10 : index
    %swap3A_292 = arith.constant 0 : index
    %swap3A_293 = arith.constant 0 : index
    %swap3A_294 = vector.load %arg6[%swap3A_290, %swap3A_291, %swap3A_292, %swap3A_293] : memref<1x12x2x1280xf32, #tpu.memory_space<vmem>>, vector<1x1x2x1280xf32>
    %swap3A_295 = vector.shape_cast %swap3A_294 : vector<1x1x2x1280xf32> to vector<2x1280xf32>
    %swap3A_296 = vector.shape_cast %dot_general3A_289 : vector<2x1280xf32> to vector<1x1x2x1280xf32>
    tpu.vector_store %arg6[%swap3A_290, %swap3A_291, %swap3A_292, %swap3A_293], %swap3A_296 {strides = array<i32>} : memref<1x12x2x1280xf32, #tpu.memory_space<vmem>>, vector<1x1x2x1280xf32>,
    %get3A_297 = arith.constant 0 : index
    %get3A_298 = arith.constant 11 : index
    %get3A_299 = arith.constant 0 : index
    %get3A_300 = arith.constant 0 : index
    %get3A_301 = vector.load %arg2[%get3A_297, %get3A_298, %get3A_299, %get3A_300] : memref<1x12x1280x128xf32, #tpu.memory_space<vmem>>, vector<1x1x1280x128xf32>
    %get3A_302 = vector.shape_cast %get3A_301 : vector<1x1x1280x128xf32> to vector<1280x128xf32>
    %dot_general3A_303 = arith.constant dense<0.000000e+00> : vector<128x1280xf32>
    %dot_general3A_304 = tpu.matmul %get3A_1, %get3A_302, %dot_general3A_303 {dimension_numbers = #tpu.dot_dimension_numbers<[0], [1], [1], [0], [0, 1, 1, 0], [], []>, transpose_lhs_hint = false} : vector<128x128xf32>, vector<1280x128xf32>, vector<128x1280xf32> -> vector<128x1280xf32>
    %swap3A_305 = arith.constant 0 : index
    %swap3A_306 = arith.constant 11 : index
    %swap3A_307 = arith.constant 0 : index
    %swap3A_308 = arith.constant 0 : index
    %swap3A_309 = vector.load %arg5[%swap3A_305, %swap3A_306, %swap3A_307, %swap3A_308] : memref<1x12x128x1280xf32, #tpu.memory_space<vmem>>, vector<1x1x128x1280xf32>
    %swap3A_310 = vector.shape_cast %swap3A_309 : vector<1x1x128x1280xf32> to vector<128x1280xf32>
    %swap3A_311 = vector.shape_cast %dot_general3A_304 : vector<128x1280xf32> to vector<1x1x128x1280xf32>
    tpu.vector_store %arg5[%swap3A_305, %swap3A_306, %swap3A_307, %swap3A_308], %swap3A_311 {strides = array<i32>} : memref<1x12x128x1280xf32, #tpu.memory_space<vmem>>, vector<1x1x128x1280xf32>,
    %get3A_312 = arith.constant 0 : index
    %get3A_313 = arith.constant 0 : index
    %get3A_314 = vector.load %arg4[%get3A_312, %get3A_313] : memref<2x128xf32, #tpu.memory_space<vmem>>, vector<2x128xf32>
    %dot_general3A_315 = arith.constant dense<0.000000e+00> : vector<2x1280xf32>
    %dot_general3A_316 = tpu.matmul %get3A_314, %dot_general3A_304, %dot_general3A_315 {dimension_numbers = #tpu.dot_dimension_numbers<[1], [0], [0], [1], [0, 0, 1, 1], [], []>, transpose_lhs_hint = false} : vector<2x128xf32>, vector<128x1280xf32>, vector<2x1280xf32> -> vector<2x1280xf32>
    %swap3A_317 = arith.constant 0 : index
    %swap3A_318 = arith.constant 11 : index
    %swap3A_319 = arith.constant 0 : index
    %swap3A_320 = arith.constant 0 : index
    %swap3A_321 = vector.load %arg6[%swap3A_317, %swap3A_318, %swap3A_319, %swap3A_320] : memref<1x12x2x1280xf32, #tpu.memory_space<vmem>>, vector<1x1x2x1280xf32>
    %swap3A_322 = vector.shape_cast %swap3A_321 : vector<1x1x2x1280xf32> to vector<2x1280xf32>
    %swap3A_323 = vector.shape_cast %dot_general3A_316 : vector<2x1280xf32> to vector<1x1x2x1280xf32>
    tpu.vector_store %arg6[%swap3A_317, %swap3A_318, %swap3A_319, %swap3A_320], %swap3A_323 {strides = array<i32>} : memref<1x12x2x1280xf32, #tpu.memory_space<vmem>>, vector<1x1x2x1280xf32>,
    return
  }
  func.func @transform_0(%arg0: i32, %arg1: i32) -> (i32, i32, i32, i32) {
    %c0_i32 = arith.constant 0 : i32
    %c0_i32_0 = arith.constant 0 : i32
    %c0_i32_1 = arith.constant 0 : i32
    return %arg0, %c0_i32, %arg1, %c0_i32_0 : i32, i32, i32, i32
  }
  func.func @transform_1(%arg0: i32, %arg1: i32) -> (i32, i32) {
    %c0_i32 = arith.constant 0 : i32
    %c0_i32_0 = arith.constant 0 : i32
    %c0_i32_1 = arith.constant 0 : i32
    return %c0_i32, %c0_i32_0 : i32, i32
  }
  func.func @transform_2(%arg0: i32, %arg1: i32) -> (i32, i32) {
    %c0_i32 = arith.constant 0 : i32
    %c0_i32_0 = arith.constant 0 : i32
    %c0_i32_1 = arith.constant 0 : i32
    return %c0_i32, %c0_i32_0 : i32, i32
  }
  func.func @transform_3(%arg0: i32, %arg1: i32) -> (i32, i32, i32, i32) {
    %c0_i32 = arith.constant 0 : i32
    %c0_i32_0 = arith.constant 0 : i32
    %c0_i32_1 = arith.constant 0 : i32
    return %arg0, %c0_i32, %c0_i32_0, %arg1 : i32, i32, i32, i32
  }
  func.func @transform_4(%arg0: i32, %arg1: i32) -> (i32, i32, i32, i32) {
    %c0_i32 = arith.constant 0 : i32
    %c0_i32_0 = arith.constant 0 : i32
    %c0_i32_1 = arith.constant 0 : i32
    return %arg0, %c0_i32, %c0_i32_0, %arg1 : i32, i32, i32, i32
  }
}

module attributes {stable_mosaic.version = 14 : i64} {
  func.func @_densum_body(%arg0: i32, %arg1: memref<1x12x16x10000xf32, #tpu.memory_space<vmem>>, %arg2: memref<1x12x1x10000xf32, #tpu.memory_space<vmem>>) attributes {dimension_semantics = [#tpu.dimension_semantics<arbitrary>], iteration_bounds = array<i64: 2>, scalar_prefetch = 0 : i64, scratch_operands = 0 : i64, tpu.core_type = #tpu.core_type<tc>, window_params = [{transform_indices = @transform_0, window_bounds = array<i64: 1, 12, 16, 10000>}, {transform_indices = @transform_1, window_bounds = array<i64: 1, 12, 1, 10000>}]} {
    %get3A = arith.constant 0 : index
    %get3A_0 = arith.constant 0 : index
    %get3A_1 = arith.constant 0 : index
    %get3A_2 = arith.constant 0 : index
    %get3A_3 = vector.load %arg1[%get3A, %get3A_0, %get3A_1, %get3A_2] : memref<1x12x16x10000xf32, #tpu.memory_space<vmem>>, vector<1x12x16x10000xf32>
    %get3A_4 = vector.shape_cast %get3A_3 : vector<1x12x16x10000xf32> to vector<12x16x10000xf32>
    %reduce_sum3A = arith.constant dense<0.000000e+00> : vector<12x10000xf32>
    %reduce_sum3A_5 = vector.multi_reduction <add>, %get3A_4, %reduce_sum3A [1] : vector<12x16x10000xf32> to vector<12x10000xf32>
    %add3A = arith.constant 1.000000e-16 : f32
    %add3A_6 = vector.broadcast %add3A : f32 to vector<12x10000xf32>
    %add3A_7 = arith.addf %reduce_sum3A_5, %add3A_6 : vector<12x10000xf32>
    %swap3A = arith.constant 0 : index
    %swap3A_8 = arith.constant 0 : index
    %swap3A_9 = arith.constant 0 : index
    %swap3A_10 = arith.constant 0 : index
    %swap3A_11 = vector.load %arg2[%swap3A, %swap3A_8, %swap3A_9, %swap3A_10] : memref<1x12x1x10000xf32, #tpu.memory_space<vmem>>, vector<1x12x1x10000xf32>
    %swap3A_12 = vector.shape_cast %swap3A_11 : vector<1x12x1x10000xf32> to vector<12x10000xf32>
    %swap3A_13 = vector.shape_cast %add3A_7 : vector<12x10000xf32> to vector<1x12x1x10000xf32>
    tpu.vector_store %arg2[%swap3A, %swap3A_8, %swap3A_9, %swap3A_10], %swap3A_13 {strides = array<i32>} : memref<1x12x1x10000xf32, #tpu.memory_space<vmem>>, vector<1x12x1x10000xf32>,
    return
  }
  func.func @transform_0(%arg0: i32) -> (i32, i32, i32, i32) {
    %c0_i32 = arith.constant 0 : i32
    %c0_i32_0 = arith.constant 0 : i32
    %c0_i32_1 = arith.constant 0 : i32
    %c0_i32_2 = arith.constant 0 : i32
    return %arg0, %c0_i32, %c0_i32_0, %c0_i32_1 : i32, i32, i32, i32
  }
  func.func @transform_1(%arg0: i32) -> (i32, i32, i32, i32) {
    %c0_i32 = arith.constant 0 : i32
    %c0_i32_0 = arith.constant 0 : i32
    %c0_i32_1 = arith.constant 0 : i32
    %c0_i32_2 = arith.constant 0 : i32
    return %arg0, %c0_i32, %c0_i32_0, %c0_i32_1 : i32, i32, i32, i32
  }
}

module attributes {stable_mosaic.version = 14 : i64} {
  func.func @_final_body(%arg0: i32, %arg1: i32, %arg2: memref<1x1x128x10000xf32, #tpu.memory_space<vmem>>, %arg3: memref<1x1x1x10000xf32, #tpu.memory_space<vmem>>, %arg4: memref<1x128xf32, #tpu.memory_space<vmem>>, %arg5: memref<1x1x10000x128xf32, #tpu.memory_space<vmem>>) attributes {dimension_semantics = [#tpu.dimension_semantics<arbitrary>, #tpu.dimension_semantics<arbitrary>], iteration_bounds = array<i64: 2, 12>, scalar_prefetch = 0 : i64, scratch_operands = 0 : i64, tpu.core_type = #tpu.core_type<tc>, window_params = [{transform_indices = @transform_0, window_bounds = array<i64: 1, 1, 128, 10000>}, {transform_indices = @transform_1, window_bounds = array<i64: 1, 1, 1, 10000>}, {pipeline_mode = #tpu.pipeline_mode<synchronous>, transform_indices = @transform_2, window_bounds = array<i64: 1, 128>}, {transform_indices = @transform_3, window_bounds = array<i64: 1, 1, 10000, 128>}]} {
    %get3A = arith.constant 0 : index
    %get3A_0 = arith.constant 0 : index
    %get3A_1 = arith.constant 0 : index
    %get3A_2 = arith.constant 0 : index
    %get3A_3 = vector.load %arg2[%get3A, %get3A_0, %get3A_1, %get3A_2] : memref<1x1x128x10000xf32, #tpu.memory_space<vmem>>, vector<1x1x128x10000xf32>
    %get3A_4 = vector.shape_cast %get3A_3 : vector<1x1x128x10000xf32> to vector<128x10000xf32>
    %transpose3A = tpu.transpose %get3A_4, [1, 0] : vector<128x10000xf32> -> vector<10000x128xf32>
    %get3A_5 = arith.constant 0 : index
    %get3A_6 = arith.constant 0 : index
    %get3A_7 = arith.constant 0 : index
    %get3A_8 = arith.constant 0 : index
    %get3A_9 = vector.load %arg3[%get3A_5, %get3A_6, %get3A_7, %get3A_8] : memref<1x1x1x10000xf32, #tpu.memory_space<vmem>>, vector<1x1x1x10000xf32>
    %get3A_10 = vector.shape_cast %get3A_9 : vector<1x1x1x10000xf32> to vector<1x10000xf32>
    %transpose3A_11 = tpu.transpose %get3A_10, [1, 0] : vector<1x10000xf32> -> vector<10000x1xf32>
    %div3A = vector.broadcast %transpose3A_11 : vector<10000x1xf32> to vector<10000x128xf32>
    %div3A_12 = arith.divf %transpose3A, %div3A : vector<10000x128xf32>
    %get3A_13 = arith.constant 0 : index
    %get3A_14 = arith.constant 0 : index
    %get3A_15 = vector.load %arg4[%get3A_13, %get3A_14] : memref<1x128xf32, #tpu.memory_space<vmem>>, vector<1x128xf32>
    %add3A = vector.broadcast %get3A_15 : vector<1x128xf32> to vector<10000x128xf32>
    %add3A_16 = arith.addf %div3A_12, %add3A : vector<10000x128xf32>
    %swap3A = arith.constant 0 : index
    %swap3A_17 = arith.constant 0 : index
    %swap3A_18 = arith.constant 0 : index
    %swap3A_19 = arith.constant 0 : index
    %swap3A_20 = vector.load %arg5[%swap3A, %swap3A_17, %swap3A_18, %swap3A_19] : memref<1x1x10000x128xf32, #tpu.memory_space<vmem>>, vector<1x1x10000x128xf32>
    %swap3A_21 = vector.shape_cast %swap3A_20 : vector<1x1x10000x128xf32> to vector<10000x128xf32>
    %swap3A_22 = vector.shape_cast %add3A_16 : vector<10000x128xf32> to vector<1x1x10000x128xf32>
    tpu.vector_store %arg5[%swap3A, %swap3A_17, %swap3A_18, %swap3A_19], %swap3A_22 {strides = array<i32>} : memref<1x1x10000x128xf32, #tpu.memory_space<vmem>>, vector<1x1x10000x128xf32>,
    return
  }
  func.func @transform_0(%arg0: i32, %arg1: i32) -> (i32, i32, i32, i32) {
    %c0_i32 = arith.constant 0 : i32
    %c0_i32_0 = arith.constant 0 : i32
    %c0_i32_1 = arith.constant 0 : i32
    return %arg0, %arg1, %c0_i32, %c0_i32_0 : i32, i32, i32, i32
  }
  func.func @transform_1(%arg0: i32, %arg1: i32) -> (i32, i32, i32, i32) {
    %c0_i32 = arith.constant 0 : i32
    %c0_i32_0 = arith.constant 0 : i32
    %c0_i32_1 = arith.constant 0 : i32
    return %arg0, %arg1, %c0_i32, %c0_i32_0 : i32, i32, i32, i32
  }
  func.func @transform_2(%arg0: i32, %arg1: i32) -> (i32, i32) {
    %c0_i32 = arith.constant 0 : i32
    %c0_i32_0 = arith.constant 0 : i32
    %c0_i32_1 = arith.constant 0 : i32
    return %c0_i32, %c0_i32_0 : i32, i32
  }
  func.func @transform_3(%arg0: i32, %arg1: i32) -> (i32, i32, i32, i32) {
    %c0_i32 = arith.constant 0 : i32
    %c0_i32_0 = arith.constant 0 : i32
    %c0_i32_1 = arith.constant 0 : i32
    return %arg0, %arg1, %c0_i32, %c0_i32_0 : i32, i32, i32, i32
  }
}

</mosaic_0001>

<sc_bundles>
// kernel: kernel.6.cloned.1.call-start
scs
__scs_entry_jumppad:
0x0: {  	(pc) =	sbr.rel $0x88, $3  }
0x1: {  	(tag) =	ssettag $0x0;
	lr =	simm.s32 $0x1  }
0x2: {  	[smem:$0x3F9B] =	sst lr;
	_ =	strace $0xD0000000  }
0x3: {  	_ = 	snop  }
0x4: {  	_ = 	snop  }
0x5: {  	_ = 	snop  }
0x6: {  	_ = 	snop  }
0x7: {  	_ = 	snop  }
__scs_overlays_trampoline_lowered:
0x8: {  	[smem:$0x3FAA] =	sst s0  }
0x9: {  	[smem:$0x3FAB] =	sst s1  }
0xa: {  	[smem:$0x3FAC] =	sst s2  }
0xb: {  	[smem:$0x3FAD] =	sst s3  }
0xc: {  	[smem:$0x3FAE] =	sst s4  }
0xd: {  	[smem:$0x3FAF] =	sst s5  }
0xe: {  	[smem:$0x3FB0] =	sst s6  }
0xf: {  	[smem:$0x3FB1] =	sst s7  }
0x10: {  	[smem:$0x3FB2] =	sst s8  }
0x11: {  	[smem:$0x3FB3] =	sst s9;
	s0 =	simm.s32 @!p0 $0x0  }
0x12: {  	s1 =	sld [smem:$0x3F99];
	s0 =	simm.s32 @p0 $0x1  }
0x13: {  	[smem:$0x3FB4] =	sst s0;
	s0 =	simm.s32 @!p1 $0x0  }
0x14: {  	s2 =	sld [smem:$0x3F98];
	s0 =	simm.s32 @p1 $0x1  }
0x15: {  	[smem:$0x3FB5] =	sst s0;
	s0 =	simm.s32 @!p2 $0x0  }
0x16: {  	s3 =	sld [smem:$0x3FDB];
	s0 =	simm.s32 @p2 $0x1  }
0x17: {  	s4 =	simm.s32 $0x1BF5;
	[smem:$0x3FB7] =	sst s0  }
0x18: {  	s0 =	sld [smem:$0x3F9A];
	_ =	swait.ge [sflag:s4], $0x0  }
0x19: {  	s7 =	sld [smem:$0x3F9B]  }
0x1a: {  	s8 =	sadd.s32 $0xFFFFE003, lr  }
0x1b: {  	s9 =	sadd.s32 $0xFFFFFEF7, lr;
	s5 =	simm.s32 $0xFFFFFFFF;
	p2 =	slt.u32 s8, $0xFFFFF086  }
0x1c: {  	p1 =	slt.u32 s9, $0xF7A;
	s5 =	simm.s32 @!p2 $0x0  }
0x1d: {  	s5 =	simm.s32 @p1 $0x1;
	p0 =	seq.s32 s7, s2  }
0x1e: {  	s7 =	smul.u32 @!p0 $0xF7A, s2;
	p2 =	seq.s32 @!p0 s5, $0x0  }
0x1f: {  	s9 =	smul.u32 $0xF7A, s1;
	s8 =	simm.s32 @!p0 $0x1BF5;
	p2 =	por !p2, p0  }
0x20: {  	[sflag:s8] =	ssyncset.s32 @!p0 $0xFFFFF086;
	s6 =	sadd.s32 @!p0 s3, s7;
	s7 =	simm.s32 @!p0 $0x108  }
0x21: {  	s3 =	sadd.s32 s3, s9;
	s6 =	sadd.s32 @!p0 $0x88, s6;
	s7 =	simm.s32 @p2 $0x1082  }
0x22: {  	[simem:s7], [sflag:s8] =	dma.local @!p0 [hbm:s6], $0xF7A  }
0x23: {  	s9 =	sor.u32 $0xD0000000, s2;
	s6 =	simm.s32 $0x108;
	_ =	swait.ge @!p0 [sflag:s8], $0x0  }
0x24: {  	s3 =	sadd.s32 $0x88, s3;
	s6 =	simm.s32 @!p1 $0x1082;
	[sflag:s4] =	ssyncset.s32 $0xFFFFF086  }
0x25: {  	[simem:s6], [sflag:s4] =	dma.local [hbm:s3], $0xF7A  }
0x26: {  	[smem:$0x3F9B] =	sst s1;
	(tag) =	ssettag s2;
	_ =	strace s9  }
0x27: {  	s1 =	sld [smem:$0x3FAB]  }
0x28: {  	s2 =	sld [smem:$0x3FAC]  }
0x29: {  	s4 =	sld [smem:$0x3FAE]  }
0x2a: {  	p0 =	seq.s32 s5, $0x0;
	s5 =	sld [smem:$0x3FAF]  }
0x2b: {  	s6 =	sld [smem:$0x3FB0]  }
0x2c: {  	s7 =	sld [smem:$0x3FB1]  }
0x2d: {  	s3 =	simm.s32 $0x108;
	s8 =	sld [smem:$0x3FB2]  }
0x2e: {  	s3 =	simm.s32 @!p0 $0x1082;
	s9 =	sld [smem:$0x3FB3]  }
0x2f: {  	lr =	sadd.s32 s0, s3;
	s0 =	sld [smem:$0x3FAA]  }
0x30: {  	s3 =	sld [smem:$0x3FAD]  }
0x31: {  	[smem:$0x3FB6] =	sst s10  }
0x32: {  	s10 =	sld [smem:$0x3FB4];
	_ =	sdelay $0x3  }
0x33: {  	p0 =	seq.s32 s10, $0x1;
	s10 =	sld [smem:$0x3FB6];
	_ =	sdelay $0x3  }
0x34: {  	[smem:$0x3FB6] =	sst s10  }
0x35: {  	s10 =	sld [smem:$0x3FB5];
	_ =	sdelay $0x3  }
0x36: {  	p1 =	seq.s32 s10, $0x1;
	s10 =	sld [smem:$0x3FB6];
	_ =	sdelay $0x3  }
0x37: {  	[smem:$0x3FB6] =	sst s10  }
0x38: {  	s10 =	sld [smem:$0x3FB7]  }
0x39: {  	_ = 	snop;
	(pc) =	sbr.ind lr, $3  }
0x3a: {  	_ = 	snop  }
0x3b: {  	_ = 	snop  }
0x3c: {  	p2 =	seq.s32 s10, $0x1;
	s10 =	sld [smem:$0x3FB6]  }
0x3d: {  	_ =	shalt  }
0x3e: {  	_ =	shalt  }
0x3f: {  	_ =	shalt  }
0x40: {  	_ =	shalt  }
0x41: {  	_ =	shalt  }
0x42: {  	_ =	shalt  }
0x43: {  	_ =	shalt  }
0x44: {  	_ =	shalt  }
0x45: {  	_ =	shalt  }
0x46: {  	_ =	shalt  }
0x47: {  	_ =	shalt  }
0x48: {  	_ =	shalt  }
0x49: {  	_ =	shalt  }
0x4a: {  	_ =	shalt  }
0x4b: {  	_ =	shalt  }
0x4c: {  	_ =	shalt  }
0x4d: {  	_ =	shalt  }
0x4e: {  	_ =	shalt  }
0x4f: {  	_ =	shalt  }
0x50: {  	_ =	shalt  }
0x51: {  	_ =	shalt  }
0x52: {  	_ =	shalt  }
0x53: {  	_ =	shalt  }
0x54: {  	_ =	shalt  }
0x55: {  	_ =	shalt  }
0x56: {  	_ =	shalt  }
0x57: {  	_ =	shalt  }
0x58: {  	_ =	shalt  }
0x59: {  	_ =	shalt  }
0x5a: {  	_ =	shalt  }
0x5b: {  	_ =	shalt  }
0x5c: {  	_ =	shalt  }
0x5d: {  	_ =	shalt  }
0x5e: {  	_ =	shalt  }
0x5f: {  	_ =	shalt  }
0x60: {  	_ =	shalt  }
0x61: {  	_ =	shalt  }
0x62: {  	_ =	shalt  }
0x63: {  	_ =	shalt  }
0x64: {  	_ =	shalt  }
0x65: {  	_ =	shalt  }
0x66: {  	_ =	shalt  }
0x67: {  	_ =	shalt  }
0x68: {  	_ =	shalt  }
0x69: {  	_ =	shalt  }
0x6a: {  	_ =	shalt  }
0x6b: {  	_ =	shalt  }
0x6c: {  	_ =	shalt  }
0x6d: {  	_ =	shalt  }
0x6e: {  	_ =	shalt  }
0x6f: {  	_ =	shalt  }
0x70: {  	_ =	shalt  }
0x71: {  	_ =	shalt  }
0x72: {  	_ =	shalt  }
0x73: {  	_ =	shalt  }
0x74: {  	_ =	shalt  }
0x75: {  	_ =	shalt  }
0x76: {  	_ =	shalt  }
0x77: {  	_ =	shalt  }
0x78: {  	_ =	shalt  }
0x79: {  	_ =	shalt  }
0x7a: {  	_ =	shalt  }
0x7b: {  	_ =	shalt  }
0x7c: {  	_ =	shalt  }
0x7d: {  	_ =	shalt  }
0x7e: {  	_ =	shalt  }
0x7f: {  	_ =	shalt  }
0x80: {  	_ =	shalt  }
0x81: {  	_ =	shalt  }
0x82: {  	_ =	shalt  }
0x83: {  	_ =	shalt  }
0x84: {  	_ =	shalt  }
0x85: {  	_ =	shalt  }
0x86: {  	_ =	shalt  }
0x87: {  	_ =	shalt  }
.Lfunc_end0:
.L_simem_size_0:
called_computation_lowered:
.L_overlay_start_0:
0x88: {  	s2 =	sld [smem:$0x3FD9]  }
0x89: {  	s3 =	sld [smem:$0x3FFE];
	_ =	sdelay $0x1  }
0x8a: {  	s1 =	srdreg.scid  }
0x8b: {  	s0 =	sand.u32 $0x1, s1  }
0x8c: {  	s17 =	sshll.u32 s0, $0xA;
	s2 =	sadd.s32 s3, s2  }
0x8d: {  	s2 =	sadd.s32 s2, s17  }
0x8e: {  	[smem:$0x3FC2] =	sst s2  }
0x8f: {  	_ = 	snop  }
0x90: {  	s2 =	sld [smem:$0x3FD0];
	(tm) =	ssettm $0x1  }
0x91: {  	s18 =	sld [smem:$0x3FFB];
	_ =	sdelay $0x3  }
0x92: {  	_ =	strace s18  }
0x93: {  	s3 =	sld [smem:$0x3FFC];
	_ =	sdelay $0x3  }
0x94: {  	_ =	strace s3  }
0x95: {  	s3 =	sld [smem:$0x3FFD];
	_ =	sdelay $0x3  }
0x96: {  	_ =	strace s3  }
0x97: {  	_ =	strace $0x8FFFFFFF  }
0x98: {  	s19 =	sld [smem:$0x3FDB];
	_ =	sdelay $0x1  }
0x99: {  	s4 =	simm.s32 $_scs_section_size  }
0x9a: {  	s5 =	simm.s32 $_size__tile_overlayer_lowered;
	s6 =	simm.s32 $_tile_overlayer_lowered  }
0x9b: {  	s22 =	simm.s32 $0x1BFF;
	s21 =	sshll.u32 s6, $0x1;
	s3 =	sadd.s32 s4, s19  }
0x9c: {  	s7 =	simm.s32 $0x0;
	s20 =	sshll.u32 s5, $0x1;
	s5 =	sadd.s32 s21, s3  }
0x9d: {  	[timem:s7], [sflag:s22] =	dma.local [hbm:s5], s20  }
0x9e: {  	_ =	swait.ge [sflag:s22], s20  }
0x9f: {  	s4 =	ssub.s32 $0x0, s20;
	[sflag:s22] =	ssyncset.done $0x0  }
0xa0: {  	[sflag:s22] =	ssyncadd.s32 s4;
	_ =	sdelay $0x1  }
0xa1: {  	s23 =	simm.s32 $0x1B8B  }
0xa2: {  	_ =	swait.ge [sflag:s23], $0x1  }
0xa3: {  	[sflag:s23] =	ssyncset.done $0x0  }
0xa4: {  	s25 =	simm.s32 $0x1B8E;
	s24 =	sld [smem:$0x3FFE];
	[sflag:s23] =	ssyncadd.s32 $0xFFFFFFFF  }
0xa5: {  	s26 =	simm.s32 $execute0_lowered;
	[smem:$0x3FD2] =	sst s25  }
0xa6: {  	s5 =	sshll.u32 s26, $0x1;
	_ =	strace $0x80000046;
	[dreg:$0x1] =	wrdreg $0xFFFFFFFF  }
0xa7: {  	s28 =	simm.s32 $_size_execute0_lowered;
	s3 =	sadd.s32 s3, s5;
	[dreg:$0x0] =	wrdreg $0x0  }
0xa8: {  	s5 =	sshll.u32 s28, $0x1;
	[dreg:$0x2] =	wrdreg s3  }
0xa9: {  	[dreg:$0x3] =	wrdreg s5  }
0xaa: {  	[dreg:$0x4] =	wrdreg $0xC0  }
0xab: {  	_ =	task [dreg:s7], $0x5FFFF  }
0xac: {  	[dreg:$0x1] =	wrdreg $0xFFFFFFFF  }
0xad: {  	[dreg:$0x0] =	wrdreg $0x60  }
0xae: {  	[dreg:$0x2] =	wrdreg s24  }
0xaf: {  	[dreg:$0x3] =	wrdreg s2  }
0xb0: {  	[dreg:$0x4] =	wrdreg $0x18C900  }
0xb1: {  	[dreg:$0x5] =	wrdreg $0x1B6900  }
0xb2: {  	[dreg:$0x6] =	wrdreg $0x9  }
0xb3: {  	_ =	task.clear_ibuf [dreg:s7], $0x7FFFF;
	_ =	strace $0x90000046  }
0xb4: {  	s29 =	simm.s32 $0x9;
	_ =	strace $0x8000004D  }
0xb5: {  	_ =	swait.ge [sflag:s29], $0x1  }
0xb6: {  	[sflag:s29] =	ssyncadd.s32 $0xFFFFFFFF  }
0xb7: {  	_ =	strace $0x9000004D  }
0xb8: {  	_ =	sfence  }
0xb9: {  	s30 =	sld [smem:$0x0];
	_ =	sdelay $0x2  }
0xba: {  	s31 =	sshll.u32 s1, $0xD;
	s1 =	sshrl.u32 s1, $0x2  }
0xbb: {  	s3 =	sand.u32 $0x4000, s31;
	s1 =	sadd.s32 s1, s30  }
0xbc: {  	s0 =	sor.u32 s3, s0;
	s1 =	sshll.u32 s1, $0x11  }
0xbd: {  	s0 =	sor.u32 s1, s0  }
0xbe: {  	s0 =	sadd.s32 $0x8F2B, s0  }
0xbf: {  	[sflag:s0] =	ssyncadd.remote.s32 $0x1  }
0xc0: {  	_ =	sfence.sel $0xFFFF  }
0xc1: {  	[dreg:$0x0] =	wrdreg $0xFFFFFFFF;
	(pc) =	sbr.abs _section_cstart, $3  }
0xc2: {  	[dreg:$0x1] =	wrdreg $0xFFFFFFFF  }
0xc3: {  	_ =	task.clear_ibuf [dreg:s7], $0x2FFFF;
	_ =	strace $0x9FFFFFFF  }
0xc4: {  	(tm) =	ssettm $0x7FFFFFFF  }
0xc5: {  	_ =	shalt  }
tec
execute0_lowered:
.L_overlay_start_1:
0x0: {  	(tag) =	ssettag $0x1  }
0x1: {  	s0 =	rddreg [dreg:$0x0]  }
0x2: {  	s2 =	rddreg [dreg:$0x1]  }
0x3: {  	s3 =	rddreg [dreg:$0x2]  }
0x4: {  	s14 =	stileid.u32;
	s4 =	rddreg [dreg:$0x3];
	v0 =	vimm.s32 $0xEFCDAB89;
	s6 =	simm.s32 $0x0;
	v1 =	vimm.s32 $0x67452301  }
0x5: {  	s1 =	srdreg.scid;
	v2 =	vimm.s32 $0xDCFE98BA;
	v3 =	vimm.s32 $0x54761032;
	s17 =	simm.s32 $0x3;
	s18 =	simm.s32 $0x5400  }
0x6: {  	v4 =	vimm.s32 $0xBA98FEDC;
	s19 =	simm.s32 $0x18C80;
	s20 =	simm.s32 $0x1500;
	s21 =	simm.s32 $0x2A00  }
0x7: {  	v5 =	vimm.s32 $0x32107654;
	v6 =	vimm.s32 $0xFEDCBA98;
	s22 =	simm.s32 $0x3F00;
	s23 =	simm.s32 $0x1;
	s24 =	simm.s32 $0xF040  }
0x8: {  	v7 =	vimm.s32 $0x76543210;
	s25 =	simm.s32 $0x2;
	s26 =	simm.s32 $0x0;
	s5 =	smul.u32 $0x2A00, s14;
	v0 =	vunpack.c.l.s4.s8 v0;
	v1 =	vunpack.c.l.s4.s8 v1  }
0x9: {  	[smem:$0x7FF] =	sst s6;
	s1 =	sand.u32 $0x1, s1;
	v2 =	vunpack.c.l.s4.s8 v2;
	s8 =	sadd.s32 $0x89A00, s0;
	v3 =	vunpack.c.l.s4.s8 v3;
	v4 =	vunpack.c.l.s4.s8 v4  }
0xa: {  	s9 =	sadd.s32 $0x14600, s0;
	s31 =	sshll.u32 s14, $0x6;
	v5 =	vunpack.c.l.s4.s8 v5;
	v6 =	vunpack.c.l.s4.s8 v6;
	_ =	strace $0x80000047;
	v0 =	vunpack.c.0.s8.s32 v0  }
0xb: {  	s11 =	ssub.s32 $0x2, s1;
	s30 =	sshll.u32 s1, $0x4;
	p0 =	sne.s32 s1, $0x0;
	v1 =	vunpack.c.0.s8.s32 v1;
	v2 =	vunpack.c.0.s8.s32 v2;
	v3 =	vunpack.c.0.s8.s32 v3  }
0xc: {  	v7 =	vunpack.c.l.s4.s8 v7;
	s7 =	sshrl.u32 s5, $0x3;
	s12 =	sshrl.u32 s11, $0x1;
	s13 =	sor.u32 s14, s30;
	v4 =	vunpack.c.0.s8.s32 v4;
	v5 =	vunpack.c.0.s8.s32 v5  }
0xd: {  	s16 =	sadd.s32 s5, s3;
	s15 =	sor.u32 $0x10, s5;
	s10 =	sadd.s32 s7, s0;
	v0 =	vcombine.low v1, v0;
	v1 =	vcombine.low v3, v2;
	v2 =	vunpack.c.0.s8.s32 v6  }
0xe: {  	s7 =	sadd.s32 $0x600, s0;
	s29 =	ssub.s32 s11, s12;
	s12 =	smul.u32 $0x2710, s14;
	v3 =	vcombine.low v5, v4;
	v4 =	vunpack.c.0.s8.s32 v7  }
0xf: {  	s11 =	sor.u32 $0x1C03, s31;
	s13 =	smul.u32 $0x9C40, s13;
	s10 =	sadd.s32 $0xF200, s10;
	v0 =	vand.u32 $0xF, v0;
	v1 =	vand.u32 $0xF, v1;
	v5 =	vand.u32 $0xF, v2  }
0x10: {  	s16 =	sshrl.u32 s16, $0x3;
	s14 =	smax.u32 s29, $0x1;
	[dreg:$0x5] =	wrdreg s10;
	v2 =	vand.u32 $0xF, v3;
	v3 =	vcombine.low v5, v4;
	v4 =	vimm.f32 $0.0e+00  }
.LBB2_1:
0x11: {  	s0 =	rddreg [dreg:$0x5]  }
0x12: {  	[spmem:s16], [sflag:s11] =	dma.local [hbm:s0], $0x540  }
0x13: {  	_ =	swait.ge [sflag:s17], $0x540  }
0x14: {  	[sflag:s17] =	ssyncset.done $0x0  }
0x15: {  	[sflag:s17] =	ssyncadd.s32 $0xFFFFFAC0  }
0x16: {  	s28 =	simm.s32 $0x0;
	[bflag:$0x0] =	sbarrier.arrive $0xFFFF  }
.LBB2_2:
0x17: {  	s0 =	smul.u32 $0x9C4, s28;
	_ =	sdelay $0x1  }
0x18: {  	_ =	strace $0x80000048;
	s0 =	sadd.s32 s7, s0  }
0x19: {  	[tilespmem:s18], [sflag:$0x3] =	stream.linear.gather [hbm4b:s0+s6], $0x4E20, $0x200038;
	[tilespmem:$0x1E090] =	vst v63  }
0x1a: {  	_ =	swait.ge [sflag:s17], $0x4E20  }
0x1b: {  	[sflag:s17] =	ssyncset.done $0x0  }
0x1c: {  	s1 =	simm.s32 $0x7B80;
	[sflag:s17] =	ssyncadd.s32 $0xFFFFB1E0  }
0x1d: {  	v5 =	vld [tilespmem:s1+$0xFFFFD8F0]  }
0x1e: {  	v7 =	vld [tilespmem:s1+$0xFFFFD8E0]  }
0x1f: {  	v6 =	vld [tilespmem:s1+$0xFFFFD8D0]  }
0x20: {  	v8 =	vld [tilespmem:s1+$0xFFFFD8C0]  }
0x21: {  	v9 =	vld [tilespmem:s1+$0xFFFFD8B0]  }
0x22: {  	v14 =	vld [tilespmem:s1+$0xFFFFD8A0]  }
0x23: {  	v13 =	vld [tilespmem:s1+$0xFFFFD890]  }
0x24: {  	v12 =	vld [tilespmem:s1+$0xFFFFD880]  }
0x25: {  	v15 =	vld [tilespmem:s1+$0xFFFFFF90]  }
0x26: {  	v16 =	vld [tilespmem:s1+$0xFFFFFFA0]  }
0x27: {  	v17 =	vld [tilespmem:s1+$0xFFFFFFB0]  }
0x28: {  	v11 =	vld [tilespmem:s1+$0xFFFFFFC0]  }
0x29: {  	v18 =	vimm.f32 $-Inf;
	v10 =	vld [tilespmem:s1+$0xFFFFFFD0]  }
0x2a: {  	v19 =	vmax.f32 v18, v12;
	v15 =	vmax.f32 v18, v15;
	v12 =	vld [tilespmem:s1+$0xFFFFFFE0]  }
0x2b: {  	v18 =	vmax.f32 v19, v13;
	v15 =	vmax.f32 v15, v16;
	v13 =	vld [tilespmem:s1+$0xFFFFFFF0]  }
0x2c: {  	s0 =	simm.s32 $0x0;
	v16 =	vmax.f32 v18, v14;
	v15 =	vmax.f32 v15, v17;
	v14 =	vld [tilespmem:s1+$0x0];
	s1 =	simm.s32 $0x7C00  }
.LBB2_3:
0x2d: {  	v17 =	vld [tilespmem:s1+$0xFFFFD8F0];
	v9 =	vmax.f32 v16, v9;
	v11 =	vmax.f32 v15, v11  }
0x2e: {  	v15 =	vld [tilespmem:s1+$0xFFFFD8E0];
	v8 =	vmax.f32 v9, v8;
	v9 =	vmax.f32 v11, v10  }
0x2f: {  	v10 =	vmax.f32 v8, v6;
	v6 =	vld [tilespmem:s1+$0xFFFFD8D0];
	v9 =	vmax.f32 v9, v12  }
0x30: {  	v8 =	vld [tilespmem:s1+$0xFFFFD8C0];
	v7 =	vmax.f32 v10, v7;
	v10 =	vmax.f32 v9, v13  }
0x31: {  	v9 =	vld [tilespmem:s1+$0xFFFFD8B0];
	v12 =	vmax.f32 v7, v5;
	v13 =	vmax.f32 v10, v14  }
0x32: {  	v14 =	vld [tilespmem:s1+$0xFFFFD8A0];
	v5 =	vmov v17  }
0x33: {  	v16 =	vld [tilespmem:s1+$0xFFFFD890];
	v7 =	vmov v15  }
0x34: {  	v15 =	vld [tilespmem:s1+$0xFFFFD880]  }
0x35: {  	s0 =	sadd.s32 $0x8, s0;
	v17 =	vld [tilespmem:s1+$0xFFFFFF90]  }
0x36: {  	p1 =	slt.u32 s0, $0x268;
	v18 =	vld [tilespmem:s1+$0xFFFFFFA0]  }
0x37: {  	v19 =	vld [tilespmem:s1+$0xFFFFFFB0]  }
.Ltmp0:
0x38: {  	v11 =	vld [tilespmem:s1+$0xFFFFFFC0];
	(pc) =	sbr.rel @p1 .LBB2_3-.Ltmp0, $4  }
0x39: {  	v10 =	vld [tilespmem:s1+$0xFFFFFFD0]  }
0x3a: {  	v15 =	vmax.f32 v12, v15;
	v13 =	vmax.f32 v13, v17;
	v12 =	vld [tilespmem:s1+$0xFFFFFFE0]  }
0x3b: {  	v15 =	vmax.f32 v15, v16;
	v17 =	vmax.f32 v13, v18;
	v13 =	vld [tilespmem:s1+$0xFFFFFFF0]  }
0x3c: {  	v16 =	vmax.f32 v15, v14;
	v15 =	vmax.f32 v17, v19;
	v14 =	vld [tilespmem:s1+$0x0];
	s1 =	sadd.s32 $0x80, s1  }
0x3d: {  	v9 =	vmax.f32 v16, v9;
	v63 =	vld [tilespmem:$0x7B00]  }
0x3e: {  	v8 =	vmax.f32 v9, v8  }
0x3f: {  	v6 =	vmax.f32 v8, v6  }
0x40: {  	v6 =	vmax.f32 v6, v7  }
0x41: {  	v5 =	vmax.f32 v6, v5  }
0x42: {  	v5 =	vmax.f32 v5, v63  }
0x43: {  	[tilespmem:$0x18C80] =	vst v5  }
0x44: {  	v6 =	vld.idx.msk [tilespmem:v0+s19+$0x0], $0xffff;
	_ =	sdelay $0x4  }
0x45: {  	v5 =	vmax.f32 v5, v6  }
0x46: {  	[tilespmem:$0x18C80] =	vst v5  }
0x47: {  	v6 =	vld.idx.msk [tilespmem:v1+s19+$0x0], $0xffff;
	_ =	sdelay $0x4  }
0x48: {  	v5 =	vmax.f32 v5, v6  }
0x49: {  	[tilespmem:$0x18C80] =	vst v5  }
0x4a: {  	v6 =	vld.idx.msk [tilespmem:v2+s19+$0x0], $0xffff  }
0x4b: {  	v8 =	vld [tilespmem:$0xA210];
	v7 =	vmax.f32 v15, v11  }
0x4c: {  	v7 =	vmax.f32 v7, v10  }
0x4d: {  	v7 =	vmax.f32 v7, v12  }
0x4e: {  	v7 =	vmax.f32 v7, v13  }
0x4f: {  	v5 =	vmax.f32 v5, v6;
	v6 =	vmax.f32 v7, v14  }
0x50: {  	[tilespmem:$0x18C80] =	vst v5;
	v7 =	vmax.f32 v6, v8  }
0x51: {  	v6 =	vld.idx.msk [tilespmem:v3+s19+$0x0], $0xffff;
	[tilespmem:$0x18C80] =	vst v7  }
0x52: {  	v8 =	vld.idx.msk [tilespmem:v0+s19+$0x0], $0xffff;
	_ =	sdelay $0x4  }
0x53: {  	v7 =	vmax.f32 v7, v8  }
0x54: {  	[tilespmem:$0x18C80] =	vst v7  }
0x55: {  	v8 =	vld.idx.msk [tilespmem:v1+s19+$0x0], $0xffff;
	_ =	sdelay $0x4  }
0x56: {  	v7 =	vmax.f32 v7, v8  }
0x57: {  	[tilespmem:$0x18C80] =	vst v7  }
0x58: {  	v8 =	vld.idx.msk [tilespmem:v2+s19+$0x0], $0xffff;
	_ =	sdelay $0x4  }
0x59: {  	v7 =	vmax.f32 v7, v8  }
0x5a: {  	s0 =	simm.s32 $0xA290;
	[tilespmem:$0x18C80] =	vst v7  }
0x5b: {  	v8 =	vld.idx.msk [tilespmem:v3+s19+$0x0], $0xffff;
	[tilespmem:s0+$0xFFFFFF90] =	vst v4  }
0x5c: {  	[tilespmem:s0+$0x0] =	vst v4  }
0x5d: {  	[tilespmem:s0+$0xFFFFFFF0] =	vst v4  }
0x5e: {  	[tilespmem:s0+$0xFFFFFFE0] =	vst v4  }
0x5f: {  	[tilespmem:s0+$0xFFFFFFD0] =	vst v4  }
0x60: {  	[tilespmem:s0+$0xFFFFFFC0] =	vst v4  }
0x61: {  	s1 =	simm.s32 $0x0;
	[tilespmem:s0+$0xFFFFFFB0] =	vst v4  }
.LBB2_5:
0x62: {  	s1 =	sadd.s32 $0x8, s1;
	[tilespmem:s0+$0xFFFFFFA0] =	vst v4;
	s0 =	sadd.s32 $0x80, s0  }
0x63: {  	[tilespmem:s0+$0xFFFFFF90] =	vst v4;
	p1 =	slt.u32 s1, $0x268  }
0x64: {  	[tilespmem:s0+$0x0] =	vst v4  }
.Ltmp1:
0x65: {  	[tilespmem:s0+$0xFFFFFFF0] =	vst v4;
	(pc) =	sbr.rel @p1 .LBB2_5-.Ltmp1, $4  }
0x66: {  	[tilespmem:s0+$0xFFFFFFE0] =	vst v4  }
0x67: {  	[tilespmem:s0+$0xFFFFFFD0] =	vst v4  }
0x68: {  	[tilespmem:s0+$0xFFFFFFC0] =	vst v4  }
0x69: {  	[tilespmem:s0+$0xFFFFFFB0] =	vst v4  }
0x6a: {  	[tilespmem:s0+$0xFFFFFFA0] =	vst v4  }
0x6b: {  	[tilespmem:$0xC920] =	vst v4  }
0x6c: {  	v5 =	vmax.f32 v5, v6;
	v6 =	vmax.f32 v7, v8;
	_ =	strace $0x90000048  }
0x6d: {  	s0 =	simm.s32 $0x0;
	p2 =	por $0x1, $0x1;
	v5 =	vadd.f32 v6, v5;
	_ =	strace $0x80000049  }
.LBB2_7:
0x6e: {  	s29 =	sadd.s32 s5, s0  }
0x6f: {  	s1 =	sadd.s32 s29, s3  }
0x70: {  	[tilespmem:s6], [sflag:$0x3] =	stream.linear.gather [spmem:s1], $0x1500, $0x200038;
	[tilespmem:$0x1E090] =	vst v63  }
0x71: {  	_ =	swait.ge [sflag:s17], $0x1500  }
0x72: {  	[sflag:s17] =	ssyncset.done $0x0  }
0x73: {  	s10 =	simm.s32 $0x10;
	[sflag:s17] =	ssyncadd.s32 $0xFFFFEB00  }
0x74: {  	v6 =	vld [tilespmem:s10+$0x0];
	_ =	sdelay $0x2  }
0x75: {  	v7 =	vld [tilespmem:s10+$0xFFFFFFF0];
	_ =	sdelay $0x1  }
0x76: {  	v9 =	vand.u32 $0x3FFF, v6  }
0x77: {  	v8 =	vadd.s32 $0x2710, v9  }
0x78: {  	v10 =	vshrl.u32 v6, $0xE;
	v11 =	vand.u32 $0x7, v6;
	v8 =	vand.u32 $0x7FF8, v8  }
0x79: {  	v12 =	vand.u32 $0x3FFF, v7;
	v6 =	vor.u32 v11, v8  }
0x7a: {  	s31 =	simm.s32 $0x30;
	v8 =	vadd.s32 $0x2710, v12  }
0x7b: {  	v13 =	vld [tilespmem:s31+$0x0];
	v14 =	vand.u32 $0x7, v7;
	v8 =	vand.u32 $0x7FF8, v8  }
0x7c: {  	v8 =	vor.u32 v14, v8  }
0x7d: {  	v10 =	vld.idx.msk [tilespmem:v10+s18+$0x0], $0xffff  }
0x7e: {  	v6 =	vld.idx.msk [tilespmem:v6+s18+$0x0], $0xffff  }
0x7f: {  	v7 =	vshrl.u32 v7, $0xE  }
0x80: {  	v15 =	vld [tilespmem:s31+$0xFFFFFFF0];
	v22 =	vand.u32 $0x3FFF, v13  }
0x81: {  	v16 =	vld.idx.msk [tilespmem:v8+s18+$0x0], $0xffff;
	v8 =	vadd.s32 $0x2710, v22  }
0x82: {  	v17 =	vand.u32 $0x7FF8, v8  }
0x83: {  	v8 =	vand.u32 $0x7, v13;
	v6 =	vadd.f32 v6, v10;
	v10 =	vshrl.u32 v13, $0xE  }
0x84: {  	v7 =	vld.idx.msk [tilespmem:v7+s18+$0x0], $0xffff;
	v17 =	vor.u32 v8, v17  }
0x85: {  	v18 =	vmul.f32 $2.000000030e-01, v6  }
0x86: {  	s10 =	simm.s32 $0x50;
	v20 =	vand.u32 $0x7, v15;
	v13 =	vand.u32 $0x3FFF, v15;
	vm0 =	vge.f32 v6, $0.0e+00  }
0x87: {  	v9 =	vadd.s32 $0x4E20, v9;
	v19 =	vadd.s32 $0x2710, v13;
	v6 =	vsel vm0, v6, v18;
	v18 =	vld [tilespmem:s10+$0x0]  }
0x88: {  	v15 =	vshrl.u32 v15, $0xE;
	v19 =	vand.u32 $0x7FF8, v19;
	v6 =	vsub.f32 v6, v5;
	v21 =	vld.idx.msk [tilespmem:v10+s18+$0x0], $0xffff  }
0x89: {  	v12 =	vadd.s32 $0x4E20, v12;
	v19 =	vor.u32 v20, v19;
	v10 =	vadd.f32 v16, v7;
	v16 =	vld.idx.msk [tilespmem:v17+s18+$0x0], $0xffff  }
0x8a: {  	v9 =	vand.u32 $0xFFF8, v9;
	v7 =	vand.u32 $0xFFF8, v12;
	v6 =	vmul.f32 $1.442695020e+00, v6  }
0x8b: {  	v12 =	vadd.s32 $0x4E20, v13;
	v13 =	vld [tilespmem:s10+$0xFFFFFFF0];
	v7 =	vor.u32 v14, v7;
	v14 =	vmul.f32 $2.000000030e-01, v10  }
0x8c: {  	v12 =	vand.u32 $0xFFF8, v12;
	vm0 =	vge.f32 v10, $0.0e+00;
	(erf) = vpow2.f32 v6  }
0x8d: {  	v15 =	vld.idx.msk [tilespmem:v15+s18+$0x0], $0xffff;
	v6 =	vor.u32 v20, v12;
	v12 =	vsel vm0, v10, v14;
	v10 =	vand.u32 $0x3FFF, v18  }
0x8e: {  	v14 =	vld.idx.msk [tilespmem:v19+s18+$0x0], $0xffff;
	v17 =	vsub.f32 v12, v5;
	v12 =	vadd.s32 $0x2710, v10;
	v16 =	vadd.f32 v16, v21  }
0x8f: {  	v19 =	vshrl.u32 v18, $0xE;
	v20 =	vand.u32 $0x7FF8, v12;
	v12 =	vand.u32 $0x7, v18  }
0x90: {  	v18 =	vand.u32 $0x3FFF, v13;
	v20 =	vor.u32 v12, v20;
	v24 =	vmul.f32 $2.000000030e-01, v16  }
0x91: {  	s31 =	simm.s32 $0x70;
	v21 =	vand.u32 $0x7, v13;
	v23 =	vadd.s32 $0x2710, v18;
	vm0 =	vge.f32 v16, $0.0e+00  }
0x92: {  	v25 =	vld [tilespmem:s31+$0x0];
	v17 =	vmul.f32 $1.442695020e+00, v17;
	v23 =	vand.u32 $0x7FF8, v23;
	v16 =	vsel vm0, v16, v24  }
0x93: {  	v14 =	vadd.f32 v14, v15;
	v15 =	vor.u32 v11, v9;
	v9 =	vsub.f32 v16, v5  }
0x94: {  	s30 =	sadd.s32 s0, s15;
	v26 =	vshrl.u32 v13, $0xE;
	v23 =	vor.u32 v21, v23;
	v13 =	vld.idx.msk [tilespmem:v19+s18+$0x0], $0xffff  }
0x95: {  	p1 =	slt.u32 s30, $0x29810;
	v11 =	vadd.s32 $0x4E20, v18;
	(erf) = vpow2.f32 v17;
	v19 =	vld.idx.msk [tilespmem:v20+s18+$0x0], $0xffff;
	v24 =	vmul.f32 $1.442695020e+00, v9;
	v18 =	vpop (erf)  }
0x96: {  	s1 =	simm.s32 $0x1510;
	v16 =	vld [tilespmem:s31+$0xFFFFFFF0];
	vm0 =	vge.f32 v14, $0.0e+00;
	v20 =	vmul.f32 $2.000000030e-01, v14;
	v27 =	vpsel !p1, $0x0, v18  }
0x97: {  	v9 =	vand.u32 $0xFFF8, v11;
	v11 =	vand.u32 $0x3FFF, v25;
	(erf) = vpow2.f32 v24;
	[tilespmem:s1+$0x0] =	vst v27  }
0x98: {  	v9 =	vor.u32 v21, v9;
	v14 =	vsel vm0, v14, v20;
	v18 =	vshrl.u32 v25, $0xE;
	[tilespmem:v15+s18+$0x0] =	vst.idx.add.f32.msk $0xffff, v27  }
0x99: {  	v17 =	vsub.f32 v14, v5;
	v14 =	vadd.s32 $0x2710, v11;
	v27 =	vadd.s32 $0x4E20, v22;
	v22 =	vld.idx.msk [tilespmem:v26+s18+$0x0], $0xffff  }
0x9a: {  	v21 =	vand.u32 $0x7FF8, v14;
	v14 =	vand.u32 $0x7, v25;
	v20 =	vadd.f32 v19, v13;
	v19 =	vld.idx.msk [tilespmem:v23+s18+$0x0], $0xffff  }
0x9b: {  	v15 =	vand.u32 $0x3FFF, v16;
	v21 =	vor.u32 v14, v21  }
0x9c: {  	s0 =	simm.s32 $0x6;
	s10 =	sadd.s32 $0xFFFFFFF0, s30;
	v13 =	vand.u32 $0x7, v16;
	v23 =	vadd.s32 $0x2710, v15;
	v24 =	vmul.f32 $2.000000030e-01, v20  }
0x9d: {  	p1 =	por p2, p2;
	p2 =	slt.u32 s10, $0x29810;
	s10 =	simm.s32 $0x90;
	v25 =	vand.u32 $0x7FF8, v23;
	v23 =	vand.u32 $0xFFF8, v27;
	vm0 =	vge.f32 v20, $0.0e+00  }
.LBB2_8:
0x9e: {  	v26 =	vld [tilespmem:s10+$0x0];
	v25 =	vor.u32 v13, v25;
	v20 =	vsel vm0, v20, v24;
	v23 =	vor.u32 v8, v23;
	v8 =	vmovc v12  }
0x9f: {  	v24 =	vshrl.u32 v16, $0xE;
	s30 =	sadd.s32 $0x20, s30;
	s0 =	sadd.s32 $0x2, s0;
	v27 =	vld.idx.msk [tilespmem:v18+s18+$0x0], $0xffff;
	v18 =	vadd.f32 v19, v22;
	v29 =	vsub.f32 v20, v5;
	v16 =	vpop (erf)  }
0xa0: {  	v15 =	vadd.s32 $0x4E20, v15;
	v17 =	vmul.f32 $1.442695020e+00, v17;
	s31 =	sadd.s32 $0xFFFFFFF0, s30;
	p4 =	slt.u32 s30, $0x29810;
	p3 =	slt.u32 s0, $0x14E;
	v20 =	vld.idx.msk [tilespmem:v21+s18+$0x0], $0xffff;
	v19 =	vpop (erf);
	v21 =	vpsel !p2, $0x0, v16  }
0xa1: {  	v16 =	vld [tilespmem:s10+$0xFFFFFFF0];
	v22 =	vmul.f32 $2.000000030e-01, v18;
	v28 =	vmul.f32 $1.442695020e+00, v29;
	v19 =	vpsel !p4, $0x0, v19;
	[tilespmem:s1+$0xFFFFFFF0] =	vst v21;
	s1 =	sadd.s32 $0x20, s1  }
0xa2: {  	v12 =	vmovc v14;
	v15 =	vand.u32 $0xFFF8, v15;
	p2 =	slt.u32 s31, $0x29810;
	vm0 =	vge.f32 v18, $0.0e+00;
	[tilespmem:s1+$0x0] =	vst v19;
	(erf) = vpow2.f32 v17  }
0xa3: {  	v29 =	vor.u32 v13, v15;
	v13 =	vsel vm0, v18, v22;
	(erf) = vpow2.f32 v28;
	[tilespmem:v23+s18+$0x0] =	vst.idx.add.f32.msk $0xffff, v19  }
0xa4: {  	v23 =	vand.u32 $0x3FFF, v26;
	v19 =	vld.idx.msk [tilespmem:v25+s18+$0x0], $0xffff;
	v17 =	vsub.f32 v13, v5  }
.Ltmp2:
0xa5: {  	v18 =	vshrl.u32 v26, $0xE;
	v13 =	vadd.s32 $0x2710, v23;
	v22 =	vld.idx.msk [tilespmem:v24+s18+$0x0], $0xffff;
	(pc) =	sbr.rel @p3 .LBB2_8-.Ltmp2, $4  }
0xa6: {  	v14 =	vand.u32 $0x7, v26;
	v24 =	vand.u32 $0x7FF8, v13;
	v20 =	vadd.f32 v20, v27;
	[tilespmem:v7+s18+$0x0] =	vst.idx.add.f32.msk $0xffff, v21;
	v7 =	vmovc v6  }
0xa7: {  	v15 =	vand.u32 $0x3FFF, v16;
	v13 =	vand.u32 $0x7, v16;
	v21 =	vor.u32 v14, v24;
	v6 =	vmovc v9;
	v9 =	vmovc v29  }
0xa8: {  	v26 =	vadd.s32 $0x4E20, v10;
	v10 =	vmovc v11;
	v11 =	vmovc v23;
	v25 =	vadd.s32 $0x2710, v15;
	v24 =	vmul.f32 $2.000000030e-01, v20  }
0xa9: {  	s10 =	sadd.s32 $0x20, s10;
	v23 =	vand.u32 $0xFFF8, v26;
	vm0 =	vge.f32 v20, $0.0e+00;
	v25 =	vand.u32 $0x7FF8, v25  }
0xaa: {  	_ =	sdelay $0x2  }
0xab: {  	v25 =	vor.u32 v13, v25  }
0xac: {  	v16 =	vshrl.u32 v16, $0xE;
	v18 =	vld.idx.msk [tilespmem:v18+s18+$0x0], $0xffff  }
0xad: {  	v21 =	vld.idx.msk [tilespmem:v21+s18+$0x0], $0xffff;
	_ =	sdelay $0x2  }
0xae: {  	v25 =	vld.idx.msk [tilespmem:v25+s18+$0x0], $0xffff  }
0xaf: {  	v19 =	vadd.f32 v19, v22;
	v16 =	vld.idx.msk [tilespmem:v16+s18+$0x0], $0xffff  }
0xb0: {  	v18 =	vadd.f32 v21, v18  }
0xb1: {  	v20 =	vsel vm0, v20, v24;
	v17 =	vmul.f32 $1.442695020e+00, v17;
	v53 =	vmul.f32 $2.000000030e-01, v19  }
0xb2: {  	v20 =	vsub.f32 v20, v5;
	vm13 =	vge.f32 v19, $0.0e+00;
	v54 =	vmul.f32 $2.000000030e-01, v18  }
0xb3: {  	(erf) = vpow2.f32 v17;
	v19 =	vsel vm13, v19, v53;
	vm14 =	vge.f32 v18, $0.0e+00  }
0xb4: {  	v55 =	vsub.f32 v19, v5;
	v18 =	vsel vm14, v18, v54;
	v16 =	vadd.f32 v25, v16  }
0xb5: {  	v20 =	vmul.f32 $1.442695020e+00, v20;
	v18 =	vsub.f32 v18, v5  }
0xb6: {  	v17 =	vmul.f32 $1.442695020e+00, v55;
	v56 =	vmul.f32 $2.000000030e-01, v16  }
0xb7: {  	(erf) = vpow2.f32 v20;
	vm15 =	vge.f32 v16, $0.0e+00;
	v18 =	vmul.f32 $1.442695020e+00, v18  }
0xb8: {  	(erf) = vpow2.f32 v17;
	v16 =	vsel vm15, v16, v56  }
0xb9: {  	v57 =	vpop (erf);
	(erf) = vpow2.f32 v18;
	v16 =	vsub.f32 v16, v5  }
0xba: {  	s0 =	sadd.s32 $0x20, s30  }
0xbb: {  	s10 =	sadd.s32 $0xFFFFFFF0, s0;
	v58 =	vpop (erf);
	v17 =	vpsel !p2, $0x0, v57;
	v16 =	vmul.f32 $1.442695020e+00, v16  }
0xbc: {  	v8 =	vor.u32 v8, v23;
	v10 =	vadd.s32 $0x4E20, v10;
	p5 =	slt.u32 s10, $0x29810;
	[tilespmem:s1+$0xFFFFFFF0] =	vst v17;
	v59 =	vpop (erf)  }
0xbd: {  	s31 =	sadd.s32 $0x20, s1;
	v10 =	vand.u32 $0xFFF8, v10;
	[tilespmem:v7+s18+$0x0] =	vst.idx.add.f32.msk $0xffff, v17;
	v7 =	vpsel !p5, $0x0, v59;
	(erf) = vpow2.f32 v16  }
0xbe: {  	p3 =	slt.u32 s0, $0x29810;
	v10 =	vor.u32 v12, v10;
	[tilespmem:s31+$0xFFFFFFF0] =	vst v7  }
0xbf: {  	v11 =	vadd.s32 $0x4E20, v11;
	s0 =	sadd.s32 $0x20, s0;
	v18 =	vpsel !p3, $0x0, v58;
	[tilespmem:v6+s18+$0x0] =	vst.idx.add.f32.msk $0xffff, v7  }
0xc0: {  	v11 =	vand.u32 $0xFFF8, v11;
	p6 =	slt.u32 s0, $0x29810;
	v60 =	vpop (erf);
	[tilespmem:s31+$0x0] =	vst v18  }
0xc1: {  	s30 =	sadd.s32 $0xFFFFFFF0, s0;
	v11 =	vor.u32 v14, v11;
	s0 =	sadd.s32 $0x20, s0;
	s1 =	sadd.s32 $0x20, s31;
	[tilespmem:v8+s18+$0x0] =	vst.idx.add.f32.msk $0xffff, v18;
	v8 =	vpsel !p6, $0x0, v60;
	v61 =	vpop (erf)  }
0xc2: {  	v62 =	vadd.s32 $0x4E20, v15;
	p4 =	slt.u32 s30, $0x29810;
	p5 =	slt.u32 s0, $0x29810;
	[tilespmem:s1+$0x0] =	vst v8;
	v6 =	vpop (erf)  }
0xc3: {  	v63 =	vand.u32 $0xFFF8, v62;
	[tilespmem:v10+s18+$0x0] =	vst.idx.add.f32.msk $0xffff, v8;
	v7 =	vpsel !p4, $0x0, v61;
	v6 =	vpsel !p5, $0x0, v6  }
0xc4: {  	v8 =	vor.u32 v13, v63;
	[tilespmem:s1+$0xFFFFFFF0] =	vst v7;
	s1 =	sadd.s32 $0x20, s1  }
0xc5: {  	s0 =	sadd.s32 $0xFFFFFFF0, s0;
	[tilespmem:s1+$0x0] =	vst v6  }
0xc6: {  	p6 =	slt.u32 s0, $0x29810;
	[tilespmem:v11+s18+$0x0] =	vst.idx.add.f32.msk $0xffff, v6;
	v6 =	vpop (erf)  }
0xc7: {  	[tilespmem:v9+s18+$0x0] =	vst.idx.add.f32.msk $0xffff, v7;
	v6 =	vpsel !p6, $0x0, v6  }
0xc8: {  	[tilespmem:s1+$0xFFFFFFF0] =	vst v6  }
.Ltmp3:
0xc9: {  	s31 =	sadd.s32 s29, s4;
	s0 =	simm.s32 $0x1500;
	[tilespmem:v8+s18+$0x0] =	vst.idx.add.f32.msk $0xffff, v6;
	(pc) =	sbr.rel @p1 .LBB2_7-.Ltmp3, $4  }
0xca: {  	[spmem:s31] =	stream.linear.scatter [tilespmem:s0], [sflag:$0x3], $0x1500, $0x200038;
	[tilespmem:$0x1E090] =	vst v63  }
0xcb: {  	_ =	swait.ge [sflag:s17], $0x1500  }
0xcc: {  	[sflag:s17] =	ssyncset.done $0x0  }
0xcd: {  	p2 =	por $0x0, $0x0;
	[sflag:s17] =	ssyncadd.s32 $0xFFFFEB00  }
0xce: {  	s0 =	smul.u32 @!p0 $0x27100, s28;
	_ =	sdelay $0x1  }
0xcf: {  	_ =	strace $0x90000049;
	s0 =	sadd.s32 @!p0 s12, s0  }
0xd0: {  	s1 =	simm.s32 @!p0 $0x0;
	s10 =	simm.s32 @!p0 $0xA220;
	s0 =	sshrl.u32 @!p0 s0, $0x3  }
0xd1: {  	s31 =	smul.u32 $0x138800, s28;
	_ =	strace $0x8000004A;
	s0 =	sadd.s32 @!p0 s9, s0  }
0xd2: {  	[hbm4b:s0+s1] =	stream.linear.scatter @!p0 [tilespmem:s10], [sflag:$0x3], $0x2710, $0x200038;
	[tilespmem:$0x1E090] =	vst v63  }
0xd3: {  	s1 =	simm.s32 @!p0 $0x3  }
0xd4: {  	s0 =	sadd.s32 s13, s31;
	_ =	swait.ge @!p0 [sflag:s1], $0x2710  }
0xd5: {  	s29 =	sshrl.u32 s0, $0x3;
	[sflag:s1] =	ssyncset.done @!p0 $0x0  }
0xd6: {  	s0 =	sadd.s32 s2, s29;
	[sflag:s1] =	ssyncadd.s32 @!p0 $0xFFFFD8F0  }
0xd7: {  	[tilespmem:s18], [sflag:$0x3] =	stream.linear.gather [hbm4b:s0+s6], $0x9C40, $0x200038;
	[tilespmem:$0x1E090] =	vst v63  }
0xd8: {  	_ =	swait.ge [sflag:s17], $0x9C40  }
0xd9: {  	[sflag:s17] =	ssyncset.done $0x0  }
0xda: {  	s0 =	simm.s32 $0xF080;
	[sflag:s17] =	ssyncadd.s32 $0xFFFF63C0  }
0xdb: {  	[tilespmem:s0+$0xFFFFFFC0] =	vst v4  }
0xdc: {  	[tilespmem:s0+$0x30] =	vst v4  }
0xdd: {  	[tilespmem:s0+$0x20] =	vst v4  }
0xde: {  	[tilespmem:s0+$0x10] =	vst v4  }
0xdf: {  	[tilespmem:s0+$0x0] =	vst v4  }
0xe0: {  	[tilespmem:s0+$0xFFFFFFF0] =	vst v4  }
0xe1: {  	s1 =	simm.s32 $0x0;
	[tilespmem:s0+$0xFFFFFFE0] =	vst v4  }
.LBB2_11:
0xe2: {  	s1 =	sadd.s32 $0x8, s1;
	[tilespmem:s0+$0xFFFFFFD0] =	vst v4;
	s0 =	sadd.s32 $0x80, s0  }
0xe3: {  	[tilespmem:s0+$0xFFFFFFC0] =	vst v4;
	p1 =	slt.u32 s1, $0x9B8  }
0xe4: {  	[tilespmem:s0+$0x30] =	vst v4  }
.Ltmp4:
0xe5: {  	[tilespmem:s0+$0x20] =	vst v4;
	(pc) =	sbr.rel @p1 .LBB2_11-.Ltmp4, $4  }
0xe6: {  	[tilespmem:s0+$0x10] =	vst v4  }
0xe7: {  	[tilespmem:s0+$0x0] =	vst v4  }
0xe8: {  	[tilespmem:s0+$0xFFFFFFF0] =	vst v4  }
0xe9: {  	[tilespmem:s0+$0xFFFFFFE0] =	vst v4  }
0xea: {  	[tilespmem:s0+$0xFFFFFFD0] =	vst v4  }
0xeb: {  	[tilespmem:$0x18C40] =	vst v4  }
0xec: {  	[tilespmem:$0x18C50] =	vst v4  }
0xed: {  	[tilespmem:$0x18C60] =	vst v4  }
0xee: {  	[tilespmem:$0x18C70] =	vst v4  }
0xef: {  	_ =	strace $0x9000004A  }
0xf0: {  	_ =	strace $0x8000004B  }
0xf1: {  	s30 =	simm.s32 $0x0;
	[bflag:$0x0] =	sbarrier.arrive $0xFFFF  }
0xf2: {  	[tilespmem:s30], [sflag:$0x1] =	stream.linear.gather [spmem:s3], $0x1500, $0x200038;
	[tilespmem:$0x1E090] =	vst v63  }
0xf3: {  	_ = 	snop  }
0xf4: {  	[tilespmem:s20], [sflag:$0x1] =	stream.linear.gather [spmem:s4], $0x1500, $0x200038;
	[tilespmem:$0x1E090] =	vst v63  }
.LBB2_13:
0xf5: {  	s31 =	smul.u32 $0x2A00, s30;
	_ =	sdelay $0x1  }
0xf6: {  	s0 =	sadd.s32 $0x1500, s31  }
0xf7: {  	s1 =	sadd.s32 s0, s3  }
0xf8: {  	[tilespmem:s21], [sflag:$0x2] =	stream.linear.gather [spmem:s1], $0x1500, $0x200038;
	[tilespmem:$0x1E090] =	vst v63  }
0xf9: {  	s0 =	sadd.s32 s0, s4  }
0xfa: {  	[tilespmem:s22], [sflag:$0x2] =	stream.linear.gather [spmem:s0], $0x1500, $0x200038;
	[tilespmem:$0x1E090] =	vst v63  }
0xfb: {  	_ =	swait.ge [sflag:s23], $0x1500  }
0xfc: {  	[sflag:s23] =	ssyncset.done $0x0  }
0xfd: {  	[sflag:s23] =	ssyncadd.s32 $0xFFFFEB00  }
0xfe: {  	_ =	swait.ge [sflag:s23], $0x1500  }
0xff: {  	[sflag:s23] =	ssyncset.done $0x0  }
0x100: {  	s10 =	simm.s32 $0x10;
	[sflag:s23] =	ssyncadd.s32 $0xFFFFEB00  }
0x101: {  	v5 =	vld [tilespmem:s10+$0x0];
	_ =	sdelay $0x4  }
0x102: {  	v6 =	vshrl.u32 v5, $0xE  }
0x103: {  	v7 =	vld [tilespmem:s10+$0xFFFFFFF0];
	_ =	sdelay $0x1  }
0x104: {  	s1 =	simm.s32 $0x1510  }
0x105: {  	v11 =	vld [tilespmem:s1+$0x0]  }
0x106: {  	v8 =	vld.idx.msk [tilespmem:v6+s18+$0x0], $0xffff  }
0x107: {  	v9 =	vshrl.u32 v7, $0xE;
	v10 =	vadd.s32 $0x2710, v6  }
0x108: {  	v12 =	vand.u32 $0x3FFF, v5;
	v13 =	vand.u32 $0x7, v6;
	v10 =	vand.u32 $0x7FFF8, v10  }
0x109: {  	v10 =	vor.u32 v13, v10  }
0x10a: {  	v16 =	vld [tilespmem:s1+$0xFFFFFFF0];
	s10 =	simm.s32 $0x30  }
0x10b: {  	v18 =	vld [tilespmem:s10+$0x0];
	v8 =	vmul.f32 v8, v11  }
0x10c: {  	v14 =	vld.idx.msk [tilespmem:v9+s18+$0x0], $0xffff  }
0x10d: {  	v15 =	vand.u32 $0x3FFF, v7;
	v22 =	vand.u32 $0x7, v5;
	v17 =	vadd.s32 $0x2710, v9;
	[tilespmem:v12+s24+$0x0] =	vst.idx.add.f32.msk $0xffff, v8  }
0x10e: {  	v20 =	vadd.s32 $0x2710, v12;
	v17 =	vand.u32 $0x7FFF8, v17;
	v8 =	vand.u32 $0x7, v9;
	v10 =	vld.idx.msk [tilespmem:v10+s18+$0x0], $0xffff  }
0x10f: {  	v5 =	vadd.s32 $0x4E20, v6;
	v20 =	vand.u32 $0x7FF8, v20;
	v17 =	vor.u32 v8, v17  }
0x110: {  	v21 =	vld [tilespmem:s10+$0xFFFFFFF0];
	v7 =	vand.u32 $0x7, v7;
	v5 =	vand.u32 $0x7FFF8, v5;
	v20 =	vor.u32 v22, v20  }
0x111: {  	v19 =	vadd.s32 $0x2710, v15;
	v5 =	vor.u32 v13, v5;
	v14 =	vmul.f32 v14, v16  }
0x112: {  	v23 =	vadd.s32 $0x4E20, v9;
	v24 =	vshrl.u32 v18, $0xE;
	v25 =	vadd.s32 $0x4E20, v15  }
0x113: {  	v28 =	vand.u32 $0x3FFF, v18;
	v19 =	vand.u32 $0x7FF8, v19;
	[tilespmem:v15+s24+$0x0] =	vst.idx.add.f32.msk $0xffff, v14;
	v10 =	vmul.f32 v10, v11  }
0x114: {  	v23 =	vand.u32 $0x7FFF8, v23;
	v14 =	vand.u32 $0xFFF8, v25;
	v9 =	vadd.s32 $0x7530, v9;
	v17 =	vld.idx.msk [tilespmem:v17+s18+$0x0], $0xffff  }
0x115: {  	v25 =	vshrl.u32 v21, $0xE;
	v15 =	vadd.s32 $0x7530, v15;
	v9 =	vand.u32 $0x7FFF8, v9;
	[tilespmem:v20+s24+$0x0] =	vst.idx.add.f32.msk $0xffff, v10  }
0x116: {  	v23 =	vor.u32 v8, v23;
	v20 =	vor.u32 v8, v9;
	v8 =	vand.u32 $0xFFF8, v15;
	v9 =	vld.idx.msk [tilespmem:v5+s18+$0x0], $0xffff  }
0x117: {  	s1 =	simm.s32 $0x1530;
	v19 =	vor.u32 v7, v19;
	v10 =	vadd.s32 $0x4E20, v12;
	v5 =	vor.u32 v7, v8;
	v8 =	vld.idx.msk [tilespmem:v24+s18+$0x0], $0xffff  }
0x118: {  	v14 =	vor.u32 v7, v14;
	v7 =	vand.u32 $0xFFF8, v10;
	v10 =	vadd.s32 $0x7530, v6;
	v6 =	vld [tilespmem:s1+$0x0]  }
0x119: {  	v27 =	vadd.s32 $0x2710, v24;
	v29 =	vand.u32 $0x7, v24;
	v26 =	vor.u32 v22, v7  }
0x11a: {  	v27 =	vand.u32 $0x7FFF8, v27;
	v7 =	vand.u32 $0x7FFF8, v10;
	v10 =	vmul.f32 v17, v16;
	v17 =	vld.idx.msk [tilespmem:v25+s18+$0x0], $0xffff  }
0x11b: {  	s10 =	simm.s32 $0x50;
	v27 =	vor.u32 v29, v27;
	v13 =	vor.u32 v13, v7;
	v7 =	vld [tilespmem:s1+$0xFFFFFFF0]  }
0x11c: {  	v33 =	vld [tilespmem:s10+$0xFFFFFFF0];
	v31 =	vadd.s32 $0x4E20, v25;
	v15 =	vand.u32 $0x3FFF, v21;
	v9 =	vmul.f32 v9, v11  }
0x11d: {  	v21 =	vand.u32 $0x7, v21;
	[tilespmem:v19+s24+$0x0] =	vst.idx.add.f32.msk $0xffff, v10;
	v10 =	vadd.s32 $0x2710, v25;
	v8 =	vmul.f32 v8, v6  }
0x11e: {  	v30 =	vadd.s32 $0x2710, v15;
	v19 =	vand.u32 $0x7, v25;
	v10 =	vand.u32 $0x7FFF8, v10;
	[tilespmem:v26+s24+$0x0] =	vst.idx.add.f32.msk $0xffff, v9  }
0x11f: {  	v9 =	vand.u32 $0x7FF8, v30;
	v26 =	vor.u32 v19, v10;
	v10 =	vand.u32 $0x7FFF8, v31;
	[tilespmem:v28+s24+$0x0] =	vst.idx.add.f32.msk $0xffff, v8  }
0x120: {  	v23 =	vld.idx.msk [tilespmem:v23+s18+$0x0], $0xffff;
	v17 =	vmul.f32 v17, v7;
	v31 =	vor.u32 v21, v9;
	v32 =	vor.u32 v19, v10  }
0x121: {  	v30 =	vld.idx.msk [tilespmem:v13+s18+$0x0], $0xffff;
	v9 =	vadd.s32 $0x4E20, v15;
	v10 =	vadd.s32 $0x7530, v12;
	v12 =	vadd.s32 $0x7530, v15  }
0x122: {  	v13 =	vld [tilespmem:s10+$0x0];
	v8 =	vand.u32 $0xFFF8, v9;
	v9 =	vadd.s32 $0x7530, v25;
	v10 =	vand.u32 $0xFFF8, v10  }
0x123: {  	v25 =	vld.idx.msk [tilespmem:v27+s18+$0x0], $0xffff;
	v27 =	vadd.s32 $0x2710, v28;
	v8 =	vor.u32 v21, v8;
	v22 =	vor.u32 v22, v10  }
0x124: {  	v27 =	vand.u32 $0x7FF8, v27;
	v10 =	vand.u32 $0x7, v18;
	v18 =	vadd.s32 $0x4E20, v24  }
0x125: {  	[tilespmem:v15+s24+$0x0] =	vst.idx.add.f32.msk $0xffff, v17;
	v15 =	vor.u32 v10, v27;
	v17 =	vand.u32 $0x7FFF8, v18;
	v18 =	vmul.f32 v23, v16  }
0x126: {  	v9 =	vand.u32 $0x7FFF8, v9;
	v23 =	vld.idx.msk [tilespmem:v26+s18+$0x0], $0xffff;
	v17 =	vor.u32 v29, v17;
	v26 =	vmul.f32 v30, v11  }
0x127: {  	v11 =	vor.u32 v19, v9;
	v9 =	vand.u32 $0xFFF8, v12;
	[tilespmem:v14+s24+$0x0] =	vst.idx.add.f32.msk $0xffff, v18;
	v12 =	vshrl.u32 v13, $0xE  }
0x128: {  	v19 =	vand.u32 $0x3FFF, v33;
	v9 =	vor.u32 v21, v9;
	v14 =	vmul.f32 v25, v6;
	v30 =	vld.idx.msk [tilespmem:v20+s18+$0x0], $0xffff  }
0x129: {  	v25 =	vshrl.u32 v33, $0xE;
	v33 =	vand.u32 $0x7, v33;
	v20 =	vadd.s32 $0x2710, v19;
	[tilespmem:v22+s24+$0x0] =	vst.idx.add.f32.msk $0xffff, v26  }
0x12a: {  	v36 =	vadd.s32 $0x2710, v12;
	v18 =	vadd.s32 $0x2710, v25;
	v27 =	vand.u32 $0x7, v25;
	[tilespmem:v15+s24+$0x0] =	vst.idx.add.f32.msk $0xffff, v14  }
0x12b: {  	s1 =	simm.s32 $0x1550;
	v36 =	vand.u32 $0x7FFF8, v36;
	v14 =	vand.u32 $0x7FFF8, v18;
	v26 =	vld.idx.msk [tilespmem:v17+s18+$0x0], $0xffff;
	v17 =	vadd.s32 $0x4E20, v28  }
0x12c: {  	v21 =	vld [tilespmem:s1+$0x0];
	v22 =	vor.u32 v27, v14;
	v14 =	vand.u32 $0xFFF8, v17;
	v17 =	vadd.s32 $0x7530, v24  }
0x12d: {  	v23 =	vmul.f32 v23, v7;
	v34 =	vld.idx.msk [tilespmem:v12+s18+$0x0], $0xffff;
	v24 =	vor.u32 v10, v14;
	v14 =	vand.u32 $0x7FFF8, v17  }
0x12e: {  	v15 =	vand.u32 $0x7FF8, v20;
	v20 =	vadd.s32 $0x4E20, v25;
	v35 =	vld.idx.msk [tilespmem:v25+s18+$0x0], $0xffff;
	v29 =	vor.u32 v29, v14  }
0x12f: {  	v18 =	vor.u32 v33, v15;
	v15 =	vand.u32 $0x3FFF, v13;
	v17 =	vand.u32 $0x7, v12;
	[tilespmem:v31+s24+$0x0] =	vst.idx.add.f32.msk $0xffff, v23  }
0x130: {  	v20 =	vand.u32 $0x7FFF8, v20;
	v14 =	vld [tilespmem:s1+$0xFFFFFFF0];
	v36 =	vor.u32 v17, v36;
	v23 =	vmul.f32 v26, v6  }
0x131: {  	v20 =	vor.u32 v27, v20;
	v31 =	vadd.s32 $0x4E20, v19;
	v25 =	vadd.s32 $0x7530, v25;
	v26 =	vld.idx.msk [tilespmem:v32+s18+$0x0], $0xffff  }
0x132: {  	v31 =	vand.u32 $0xFFF8, v31;
	v63 =	vand.u32 $0x7FFF8, v25;
	v34 =	vmul.f32 v34, v21;
	[tilespmem:v24+s24+$0x0] =	vst.idx.add.f32.msk $0xffff, v23  }
0x133: {  	v25 =	vor.u32 v33, v31;
	v23 =	vadd.s32 $0x7530, v19;
	v24 =	vor.u32 v27, v63;
	v27 =	vld.idx.msk [tilespmem:v29+s18+$0x0], $0xffff  }
0x134: {  	v31 =	vadd.s32 $0x7530, v28;
	v29 =	vand.u32 $0xFFF8, v23;
	v23 =	vmul.f32 v30, v16;
	[tilespmem:v15+s24+$0x0] =	vst.idx.add.f32.msk $0xffff, v34  }
0x135: {  	s0 =	simm.s32 $0x4;
	s10 =	simm.s32 $0x70;
	v30 =	vmul.f32 v35, v14;
	v16 =	vor.u32 v33, v29;
	v28 =	vld.idx.msk [tilespmem:v36+s18+$0x0], $0xffff;
	v29 =	vand.u32 $0xFFF8, v31  }
.LBB2_14:
0x136: {  	v31 =	vld [tilespmem:s10+$0x0];
	s0 =	sadd.s32 $0x2, s0;
	v32 =	vadd.s32 $0x2710, v15;
	v29 =	vor.u32 v10, v29  }
0x137: {  	v10 =	vand.u32 $0x7, v13;
	v13 =	vadd.s32 $0x4E20, v12;
	v33 =	vld [tilespmem:s10+$0xFFFFFFF0];
	p1 =	slt.u32 s0, $0x14E;
	v32 =	vand.u32 $0x7FF8, v32  }
0x138: {  	v13 =	vand.u32 $0x7FFF8, v13;
	[tilespmem:v19+s24+$0x0] =	vst.idx.add.f32.msk $0xffff, v30;
	v30 =	vor.u32 v10, v32;
	v19 =	vmul.f32 v26, v7  }
0x139: {  	v27 =	vmul.f32 v27, v6;
	v6 =	vmov v21;
	v26 =	vld.idx.msk [tilespmem:v22+s18+$0x0], $0xffff;
	v22 =	vor.u32 v17, v13  }
0x13a: {  	[tilespmem:v8+s24+$0x0] =	vst.idx.add.f32.msk $0xffff, v19;
	v8 =	vmov v25  }
0x13b: {  	v25 =	vmul.f32 v28, v6;
	v21 =	vshrl.u32 v31, $0xE;
	[tilespmem:v29+s24+$0x0] =	vst.idx.add.f32.msk $0xffff, v27;
	v13 =	vmov v31  }
0x13c: {  	v27 =	vshrl.u32 v33, $0xE;
	v19 =	vand.u32 $0x3FFF, v33;
	v28 =	vand.u32 $0x7, v33;
	v29 =	vld.idx.msk [tilespmem:v11+s18+$0x0], $0xffff;
	v11 =	vmovc v24  }
0x13d: {  	v24 =	vand.u32 $0x7, v27;
	v31 =	vadd.s32 $0x2710, v27;
	v32 =	vadd.s32 $0x2710, v19;
	[tilespmem:v30+s24+$0x0] =	vst.idx.add.f32.msk $0xffff, v25  }
0x13e: {  	v25 =	vand.u32 $0x7FFF8, v31;
	v30 =	vand.u32 $0x7FF8, v32;
	v31 =	vadd.s32 $0x4E20, v27;
	v32 =	vld.idx.msk [tilespmem:v22+s18+$0x0], $0xffff  }
0x13f: {  	v22 =	vor.u32 v24, v25;
	v25 =	vmul.f32 v26, v14;
	v26 =	vadd.s32 $0x4E20, v15;
	[tilespmem:v5+s24+$0x0] =	vst.idx.add.f32.msk $0xffff, v23  }
0x140: {  	s1 =	sadd.s32 $0x20, s1;
	v33 =	vadd.s32 $0x7530, v12;
	v12 =	vmovc v21;
	v23 =	vor.u32 v28, v30;
	v5 =	vmovc v9;
	v30 =	vld.idx.msk [tilespmem:v21+s18+$0x0], $0xffff;
	v26 =	vand.u32 $0xFFF8, v26  }
0x141: {  	v31 =	vand.u32 $0x7FFF8, v31;
	v9 =	vmovc v16;
	v21 =	vld [tilespmem:s1+$0x0];
	v34 =	vor.u32 v10, v26;
	v26 =	vand.u32 $0x7FFF8, v33  }
0x142: {  	v31 =	vor.u32 v24, v31;
	v33 =	vadd.s32 $0x2710, v12;
	v16 =	vld.idx.msk [tilespmem:v27+s18+$0x0], $0xffff;
	v35 =	vor.u32 v17, v26  }
0x143: {  	v37 =	vand.u32 $0x3FFF, v13;
	v17 =	vand.u32 $0x7, v12;
	v26 =	vand.u32 $0x7FFF8, v33;
	v36 =	vld [tilespmem:s1+$0xFFFFFFF0]  }
0x144: {  	v33 =	vadd.s32 $0x4E20, v19;
	v38 =	vor.u32 v17, v26;
	v32 =	vmul.f32 v32, v6;
	[tilespmem:v18+s24+$0x0] =	vst.idx.add.f32.msk $0xffff, v25  }
.Ltmp5:
0x145: {  	v27 =	vadd.s32 $0x7530, v27;
	v25 =	vand.u32 $0xFFF8, v33;
	v33 =	vadd.s32 $0x7530, v19;
	v18 =	vmovc v23;
	v26 =	vld.idx.msk [tilespmem:v20+s18+$0x0], $0xffff;
	v20 =	vmovc v31;
	(pc) =	sbr.rel @p1 .LBB2_14-.Ltmp5, $4  }
0x146: {  	v23 =	vand.u32 $0x7FFF8, v27;
	v25 =	vor.u32 v28, v25;
	v31 =	vmul.f32 v30, v21;
	[tilespmem:v34+s24+$0x0] =	vst.idx.add.f32.msk $0xffff, v32  }
0x147: {  	v24 =	vor.u32 v24, v23;
	v23 =	vmul.f32 v29, v7;
	v7 =	vmovc v14;
	v32 =	vand.u32 $0xFFF8, v33;
	v27 =	vld.idx.msk [tilespmem:v35+s18+$0x0], $0xffff  }
0x148: {  	v30 =	vmul.f32 v16, v36;
	v16 =	vor.u32 v28, v32;
	[tilespmem:v37+s24+$0x0] =	vst.idx.add.f32.msk $0xffff, v31;
	v31 =	vadd.s32 $0x7530, v15  }
0x149: {  	s10 =	sadd.s32 $0x20, s10;
	v14 =	vmov v36;
	v15 =	vmov v37;
	v28 =	vld.idx.msk [tilespmem:v38+s18+$0x0], $0xffff;
	v29 =	vand.u32 $0xFFF8, v31  }
0x14a: {  	_ =	sdelay $0x2  }
0x14b: {  	v31 =	vadd.s32 $0x2710, v15  }
0x14c: {  	v13 =	vand.u32 $0x7, v13;
	v32 =	vadd.s32 $0x4E20, v12;
	[tilespmem:v19+s24+$0x0] =	vst.idx.add.f32.msk $0xffff, v30;
	v31 =	vand.u32 $0x7FF8, v31  }
0x14d: {  	v30 =	vand.u32 $0x7FFF8, v32;
	v22 =	vld.idx.msk [tilespmem:v22+s18+$0x0], $0xffff;
	v19 =	vor.u32 v13, v31  }
0x14e: {  	v30 =	vor.u32 v17, v30;
	_ =	sdelay $0x1  }
0x14f: {  	v28 =	vmul.f32 v28, v21;
	_ =	sdelay $0x1  }
0x150: {  	[tilespmem:v19+s24+$0x0] =	vst.idx.add.f32.msk $0xffff, v28;
	v19 =	vmul.f32 v22, v14  }
0x151: {  	v28 =	vadd.s32 $0x4E20, v15;
	v22 =	vld.idx.msk [tilespmem:v30+s18+$0x0], $0xffff  }
0x152: {  	v12 =	vadd.s32 $0x7530, v12;
	v28 =	vand.u32 $0xFFF8, v28;
	[tilespmem:v18+s24+$0x0] =	vst.idx.add.f32.msk $0xffff, v19  }
0x153: {  	v12 =	vand.u32 $0x7FFF8, v12;
	v18 =	vor.u32 v13, v28;
	v19 =	vld.idx.msk [tilespmem:v20+s18+$0x0], $0xffff  }
0x154: {  	v12 =	vor.u32 v17, v12;
	v20 =	vmul.f32 v26, v7;
	_ =	sdelay $0x1  }
0x155: {  	[tilespmem:v8+s24+$0x0] =	vst.idx.add.f32.msk $0xffff, v20;
	v8 =	vmul.f32 v22, v21  }
0x156: {  	v11 =	vld.idx.msk [tilespmem:v11+s18+$0x0], $0xffff  }
0x157: {  	[tilespmem:v18+s24+$0x0] =	vst.idx.add.f32.msk $0xffff, v8;
	v8 =	vmul.f32 v19, v14  }
0x158: {  	v10 =	vor.u32 v10, v29;
	v15 =	vadd.s32 $0x7530, v15;
	v12 =	vld.idx.msk [tilespmem:v12+s18+$0x0], $0xffff  }
0x159: {  	v15 =	vand.u32 $0xFFF8, v15;
	[tilespmem:v25+s24+$0x0] =	vst.idx.add.f32.msk $0xffff, v8  }
0x15a: {  	v8 =	vor.u32 v13, v15;
	v13 =	vld.idx.msk [tilespmem:v24+s18+$0x0], $0xffff  }
0x15b: {  	v6 =	vmul.f32 v27, v6;
	_ =	sdelay $0x1  }
0x15c: {  	[tilespmem:v10+s24+$0x0] =	vst.idx.add.f32.msk $0xffff, v6;
	v6 =	vmul.f32 v12, v21  }
0x15d: {  	[tilespmem:v5+s24+$0x0] =	vst.idx.add.f32.msk $0xffff, v23;
	v5 =	vmul.f32 v11, v7  }
0x15e: {  	p1 =	seq.s32 s30, $0xF;
	[tilespmem:v8+s24+$0x0] =	vst.idx.add.f32.msk $0xffff, v6;
	v6 =	vmul.f32 v13, v14  }
0x15f: {  	s0 =	sadd.s32 @!p1 $0x2A00, s31;
	[tilespmem:v9+s24+$0x0] =	vst.idx.add.f32.msk $0xffff, v5  }
0x160: {  	s10 =	simm.s32 @!p1 $0x0;
	s1 =	sadd.s32 @!p1 s0, s3;
	[tilespmem:v16+s24+$0x0] =	vst.idx.add.f32.msk $0xffff, v6  }
0x161: {  	[tilespmem:s10], [sflag:$0x1] =	stream.linear.gather @!p1 [spmem:s1], $0x1500, $0x200038;
	[tilespmem:$0x1E090] =	vst v63  }
0x162: {  	s0 =	sadd.s32 @!p1 s0, s4;
	s1 =	simm.s32 @!p1 $0x1500  }
0x163: {  	[tilespmem:s1], [sflag:$0x1] =	stream.linear.gather @!p1 [spmem:s0], $0x1500, $0x200038;
	[tilespmem:$0x1E090] =	vst v63  }
0x164: {  	_ =	swait.ge [sflag:s25], $0x1500  }
0x165: {  	[sflag:s25] =	ssyncset.done $0x0  }
0x166: {  	[sflag:s25] =	ssyncadd.s32 $0xFFFFEB00  }
0x167: {  	_ =	swait.ge [sflag:s25], $0x1500  }
0x168: {  	[sflag:s25] =	ssyncset.done $0x0  }
0x169: {  	s10 =	simm.s32 $0x2A10;
	[sflag:s25] =	ssyncadd.s32 $0xFFFFEB00  }
0x16a: {  	v5 =	vld [tilespmem:s10+$0x0];
	_ =	sdelay $0x4  }
0x16b: {  	v6 =	vshrl.u32 v5, $0xE  }
0x16c: {  	v7 =	vld [tilespmem:s10+$0xFFFFFFF0];
	_ =	sdelay $0x1  }
0x16d: {  	s31 =	simm.s32 $0x3F10  }
0x16e: {  	v11 =	vld [tilespmem:s31+$0x0]  }
0x16f: {  	v8 =	vld.idx.msk [tilespmem:v6+s18+$0x0], $0xffff  }
0x170: {  	v9 =	vshrl.u32 v7, $0xE;
	v10 =	vadd.s32 $0x2710, v6  }
0x171: {  	v12 =	vand.u32 $0x3FFF, v5;
	v13 =	vand.u32 $0x7, v6;
	v10 =	vand.u32 $0x7FFF8, v10  }
0x172: {  	v10 =	vor.u32 v13, v10  }
0x173: {  	s1 =	simm.s32 $0x2A30;
	v16 =	vld [tilespmem:s31+$0xFFFFFFF0]  }
0x174: {  	v18 =	vld [tilespmem:s1+$0x0];
	v8 =	vmul.f32 v8, v11  }
0x175: {  	v14 =	vld.idx.msk [tilespmem:v9+s18+$0x0], $0xffff  }
0x176: {  	v15 =	vand.u32 $0x3FFF, v7;
	v22 =	vand.u32 $0x7, v5;
	v17 =	vadd.s32 $0x2710, v9;
	[tilespmem:v12+s24+$0x0] =	vst.idx.add.f32.msk $0xffff, v8  }
0x177: {  	v20 =	vadd.s32 $0x2710, v12;
	v17 =	vand.u32 $0x7FFF8, v17;
	v8 =	vand.u32 $0x7, v9;
	v10 =	vld.idx.msk [tilespmem:v10+s18+$0x0], $0xffff  }
0x178: {  	v5 =	vadd.s32 $0x4E20, v6;
	v20 =	vand.u32 $0x7FF8, v20;
	v17 =	vor.u32 v8, v17  }
0x179: {  	v21 =	vld [tilespmem:s1+$0xFFFFFFF0];
	v7 =	vand.u32 $0x7, v7;
	v5 =	vand.u32 $0x7FFF8, v5;
	v20 =	vor.u32 v22, v20  }
0x17a: {  	v24 =	vshrl.u32 v18, $0xE;
	v5 =	vor.u32 v13, v5;
	v14 =	vmul.f32 v14, v16  }
0x17b: {  	v28 =	vand.u32 $0x3FFF, v18;
	v19 =	vadd.s32 $0x2710, v15;
	v23 =	vadd.s32 $0x4E20, v9  }
0x17c: {  	v25 =	vadd.s32 $0x4E20, v15;
	v19 =	vand.u32 $0x7FF8, v19;
	[tilespmem:v15+s24+$0x0] =	vst.idx.add.f32.msk $0xffff, v14;
	v10 =	vmul.f32 v10, v11  }
0x17d: {  	v23 =	vand.u32 $0x7FFF8, v23;
	v14 =	vand.u32 $0xFFF8, v25;
	v9 =	vadd.s32 $0x7530, v9;
	v17 =	vld.idx.msk [tilespmem:v17+s18+$0x0], $0xffff  }
0x17e: {  	v25 =	vshrl.u32 v21, $0xE;
	v15 =	vadd.s32 $0x7530, v15;
	v9 =	vand.u32 $0x7FFF8, v9;
	[tilespmem:v20+s24+$0x0] =	vst.idx.add.f32.msk $0xffff, v10  }
0x17f: {  	v23 =	vor.u32 v8, v23;
	v26 =	vor.u32 v8, v9;
	v8 =	vand.u32 $0xFFF8, v15;
	v9 =	vld.idx.msk [tilespmem:v5+s18+$0x0], $0xffff  }
0x180: {  	s10 =	simm.s32 $0x3F30;
	v19 =	vor.u32 v7, v19;
	v10 =	vadd.s32 $0x4E20, v12;
	v5 =	vor.u32 v7, v8;
	v8 =	vld.idx.msk [tilespmem:v24+s18+$0x0], $0xffff  }
0x181: {  	v14 =	vor.u32 v7, v14;
	v7 =	vand.u32 $0xFFF8, v10;
	v10 =	vadd.s32 $0x7530, v6;
	v6 =	vld [tilespmem:s10+$0x0]  }
0x182: {  	v27 =	vadd.s32 $0x2710, v24;
	v29 =	vand.u32 $0x7, v24;
	v20 =	vor.u32 v22, v7  }
0x183: {  	v27 =	vand.u32 $0x7FFF8, v27;
	v7 =	vand.u32 $0x7FFF8, v10;
	v10 =	vmul.f32 v17, v16;
	v17 =	vld.idx.msk [tilespmem:v25+s18+$0x0], $0xffff  }
0x184: {  	s31 =	simm.s32 $0x2A50;
	v27 =	vor.u32 v29, v27;
	v13 =	vor.u32 v13, v7;
	v7 =	vld [tilespmem:s10+$0xFFFFFFF0]  }
0x185: {  	v33 =	vld [tilespmem:s31+$0xFFFFFFF0];
	v31 =	vadd.s32 $0x4E20, v25;
	v15 =	vand.u32 $0x3FFF, v21;
	v9 =	vmul.f32 v9, v11  }
0x186: {  	v21 =	vand.u32 $0x7, v21;
	[tilespmem:v19+s24+$0x0] =	vst.idx.add.f32.msk $0xffff, v10;
	v10 =	vadd.s32 $0x2710, v25;
	v8 =	vmul.f32 v8, v6  }
0x187: {  	v30 =	vadd.s32 $0x2710, v15;
	v19 =	vand.u32 $0x7, v25;
	v10 =	vand.u32 $0x7FFF8, v10;
	[tilespmem:v20+s24+$0x0] =	vst.idx.add.f32.msk $0xffff, v9  }
0x188: {  	v9 =	vand.u32 $0x7FF8, v30;
	v20 =	vor.u32 v19, v10;
	v10 =	vand.u32 $0x7FFF8, v31;
	[tilespmem:v28+s24+$0x0] =	vst.idx.add.f32.msk $0xffff, v8  }
0x189: {  	v23 =	vld.idx.msk [tilespmem:v23+s18+$0x0], $0xffff;
	v17 =	vmul.f32 v17, v7;
	v31 =	vor.u32 v21, v9;
	v62 =	vor.u32 v19, v10  }
0x18a: {  	v30 =	vld.idx.msk [tilespmem:v13+s18+$0x0], $0xffff;
	v9 =	vadd.s32 $0x4E20, v15;
	v10 =	vadd.s32 $0x7530, v12;
	v12 =	vadd.s32 $0x7530, v15  }
0x18b: {  	v13 =	vld [tilespmem:s31+$0x0];
	v8 =	vand.u32 $0xFFF8, v9;
	v9 =	vadd.s32 $0x7530, v25;
	v10 =	vand.u32 $0xFFF8, v10  }
0x18c: {  	v25 =	vld.idx.msk [tilespmem:v27+s18+$0x0], $0xffff;
	v27 =	vadd.s32 $0x2710, v28;
	v8 =	vor.u32 v21, v8;
	v22 =	vor.u32 v22, v10  }
0x18d: {  	v27 =	vand.u32 $0x7FF8, v27;
	v10 =	vand.u32 $0x7, v18;
	v18 =	vadd.s32 $0x4E20, v24  }
0x18e: {  	[tilespmem:v15+s24+$0x0] =	vst.idx.add.f32.msk $0xffff, v17;
	v15 =	vor.u32 v10, v27;
	v17 =	vand.u32 $0x7FFF8, v18;
	v18 =	vmul.f32 v23, v16  }
0x18f: {  	v9 =	vand.u32 $0x7FFF8, v9;
	v23 =	vld.idx.msk [tilespmem:v20+s18+$0x0], $0xffff;
	v17 =	vor.u32 v29, v17;
	v20 =	vmul.f32 v30, v11  }
0x190: {  	v11 =	vor.u32 v19, v9;
	v9 =	vand.u32 $0xFFF8, v12;
	[tilespmem:v14+s24+$0x0] =	vst.idx.add.f32.msk $0xffff, v18;
	v12 =	vshrl.u32 v13, $0xE  }
0x191: {  	v9 =	vor.u32 v21, v9;
	v14 =	vmul.f32 v25, v6;
	v25 =	vshrl.u32 v33, $0xE;
	v30 =	vld.idx.msk [tilespmem:v26+s18+$0x0], $0xffff  }
0x192: {  	v36 =	vadd.s32 $0x2710, v12;
	[tilespmem:v22+s24+$0x0] =	vst.idx.add.f32.msk $0xffff, v20;
	v20 =	vand.u32 $0x3FFF, v33;
	v33 =	vand.u32 $0x7, v33  }
0x193: {  	v18 =	vadd.s32 $0x2710, v25;
	v27 =	vand.u32 $0x7, v25;
	v36 =	vand.u32 $0x7FFF8, v36;
	[tilespmem:v15+s24+$0x0] =	vst.idx.add.f32.msk $0xffff, v14  }
0x194: {  	s1 =	simm.s32 $0x3F50;
	v19 =	vadd.s32 $0x2710, v20;
	v14 =	vand.u32 $0x7FFF8, v18;
	v26 =	vld.idx.msk [tilespmem:v17+s18+$0x0], $0xffff;
	v17 =	vadd.s32 $0x4E20, v28  }
0x195: {  	v21 =	vld [tilespmem:s1+$0x0];
	v22 =	vor.u32 v27, v14;
	v14 =	vand.u32 $0xFFF8, v17;
	v17 =	vadd.s32 $0x7530, v24  }
0x196: {  	v23 =	vmul.f32 v23, v7;
	v34 =	vld.idx.msk [tilespmem:v12+s18+$0x0], $0xffff;
	v24 =	vor.u32 v10, v14;
	v14 =	vand.u32 $0x7FFF8, v17  }
0x197: {  	v15 =	vand.u32 $0x7FF8, v19;
	v19 =	vadd.s32 $0x4E20, v25;
	v35 =	vld.idx.msk [tilespmem:v25+s18+$0x0], $0xffff;
	v29 =	vor.u32 v29, v14  }
0x198: {  	v18 =	vor.u32 v33, v15;
	v15 =	vand.u32 $0x3FFF, v13;
	v17 =	vand.u32 $0x7, v12;
	[tilespmem:v31+s24+$0x0] =	vst.idx.add.f32.msk $0xffff, v23  }
0x199: {  	v19 =	vand.u32 $0x7FFF8, v19;
	v14 =	vld [tilespmem:s1+$0xFFFFFFF0];
	v36 =	vor.u32 v17, v36;
	v23 =	vmul.f32 v26, v6  }
0x19a: {  	v19 =	vor.u32 v27, v19;
	v31 =	vadd.s32 $0x4E20, v20;
	v25 =	vadd.s32 $0x7530, v25;
	v26 =	vld.idx.msk [tilespmem:v62+s18+$0x0], $0xffff  }
0x19b: {  	v31 =	vand.u32 $0xFFF8, v31;
	v63 =	vand.u32 $0x7FFF8, v25;
	v34 =	vmul.f32 v34, v21;
	[tilespmem:v24+s24+$0x0] =	vst.idx.add.f32.msk $0xffff, v23  }
0x19c: {  	v25 =	vor.u32 v33, v31;
	v23 =	vadd.s32 $0x7530, v20;
	v24 =	vor.u32 v27, v63;
	v27 =	vld.idx.msk [tilespmem:v29+s18+$0x0], $0xffff  }
0x19d: {  	v31 =	vadd.s32 $0x7530, v28;
	v29 =	vand.u32 $0xFFF8, v23;
	v23 =	vmul.f32 v30, v16;
	[tilespmem:v15+s24+$0x0] =	vst.idx.add.f32.msk $0xffff, v34  }
0x19e: {  	s0 =	simm.s32 $0x4;
	s10 =	simm.s32 $0x2A70;
	v30 =	vmul.f32 v35, v14;
	v16 =	vor.u32 v33, v29;
	v28 =	vld.idx.msk [tilespmem:v36+s18+$0x0], $0xffff;
	v29 =	vand.u32 $0xFFF8, v31  }
.LBB2_16:
0x19f: {  	v31 =	vld [tilespmem:s10+$0x0];
	s0 =	sadd.s32 $0x2, s0;
	v32 =	vadd.s32 $0x2710, v15;
	v29 =	vor.u32 v10, v29  }
0x1a0: {  	v10 =	vand.u32 $0x7, v13;
	v13 =	vadd.s32 $0x4E20, v12;
	v33 =	vld [tilespmem:s10+$0xFFFFFFF0];
	p1 =	slt.u32 s0, $0x14E;
	v32 =	vand.u32 $0x7FF8, v32  }
0x1a1: {  	v13 =	vand.u32 $0x7FFF8, v13;
	[tilespmem:v20+s24+$0x0] =	vst.idx.add.f32.msk $0xffff, v30;
	v30 =	vor.u32 v10, v32;
	v20 =	vmul.f32 v26, v7  }
0x1a2: {  	v27 =	vmul.f32 v27, v6;
	v6 =	vmov v21;
	v26 =	vld.idx.msk [tilespmem:v22+s18+$0x0], $0xffff;
	v22 =	vor.u32 v17, v13  }
0x1a3: {  	[tilespmem:v8+s24+$0x0] =	vst.idx.add.f32.msk $0xffff, v20;
	v8 =	vmov v25  }
0x1a4: {  	v25 =	vmul.f32 v28, v6;
	v21 =	vshrl.u32 v31, $0xE;
	[tilespmem:v29+s24+$0x0] =	vst.idx.add.f32.msk $0xffff, v27;
	v13 =	vmov v31  }
0x1a5: {  	v27 =	vshrl.u32 v33, $0xE;
	v20 =	vand.u32 $0x3FFF, v33;
	v28 =	vand.u32 $0x7, v33;
	v29 =	vld.idx.msk [tilespmem:v11+s18+$0x0], $0xffff;
	v11 =	vmovc v24  }
0x1a6: {  	v24 =	vand.u32 $0x7, v27;
	v31 =	vadd.s32 $0x2710, v27;
	v32 =	vadd.s32 $0x2710, v20;
	[tilespmem:v30+s24+$0x0] =	vst.idx.add.f32.msk $0xffff, v25  }
0x1a7: {  	v25 =	vand.u32 $0x7FFF8, v31;
	v30 =	vand.u32 $0x7FF8, v32;
	v31 =	vadd.s32 $0x4E20, v27;
	v32 =	vld.idx.msk [tilespmem:v22+s18+$0x0], $0xffff  }
0x1a8: {  	v22 =	vor.u32 v24, v25;
	v25 =	vmul.f32 v26, v14;
	v26 =	vadd.s32 $0x4E20, v15;
	[tilespmem:v5+s24+$0x0] =	vst.idx.add.f32.msk $0xffff, v23  }
0x1a9: {  	s1 =	sadd.s32 $0x20, s1;
	v33 =	vadd.s32 $0x7530, v12;
	v12 =	vmovc v21;
	v23 =	vor.u32 v28, v30;
	v5 =	vmovc v9;
	v30 =	vld.idx.msk [tilespmem:v21+s18+$0x0], $0xffff;
	v26 =	vand.u32 $0xFFF8, v26  }
0x1aa: {  	v31 =	vand.u32 $0x7FFF8, v31;
	v9 =	vmovc v16;
	v21 =	vld [tilespmem:s1+$0x0];
	v34 =	vor.u32 v10, v26;
	v26 =	vand.u32 $0x7FFF8, v33  }
0x1ab: {  	v31 =	vor.u32 v24, v31;
	v33 =	vadd.s32 $0x2710, v12;
	v16 =	vld.idx.msk [tilespmem:v27+s18+$0x0], $0xffff;
	v35 =	vor.u32 v17, v26  }
0x1ac: {  	v37 =	vand.u32 $0x3FFF, v13;
	v17 =	vand.u32 $0x7, v12;
	v26 =	vand.u32 $0x7FFF8, v33;
	v36 =	vld [tilespmem:s1+$0xFFFFFFF0]  }
0x1ad: {  	v33 =	vadd.s32 $0x4E20, v20;
	v38 =	vor.u32 v17, v26;
	v32 =	vmul.f32 v32, v6;
	[tilespmem:v18+s24+$0x0] =	vst.idx.add.f32.msk $0xffff, v25  }
.Ltmp6:
0x1ae: {  	v27 =	vadd.s32 $0x7530, v27;
	v25 =	vand.u32 $0xFFF8, v33;
	v33 =	vadd.s32 $0x7530, v20;
	v18 =	vmovc v23;
	v26 =	vld.idx.msk [tilespmem:v19+s18+$0x0], $0xffff;
	v19 =	vmovc v31;
	(pc) =	sbr.rel @p1 .LBB2_16-.Ltmp6, $4  }
0x1af: {  	v23 =	vand.u32 $0x7FFF8, v27;
	v25 =	vor.u32 v28, v25;
	v31 =	vmul.f32 v30, v21;
	[tilespmem:v34+s24+$0x0] =	vst.idx.add.f32.msk $0xffff, v32  }
0x1b0: {  	v24 =	vor.u32 v24, v23;
	v23 =	vmul.f32 v29, v7;
	v7 =	vmovc v14;
	v32 =	vand.u32 $0xFFF8, v33;
	v27 =	vld.idx.msk [tilespmem:v35+s18+$0x0], $0xffff  }
0x1b1: {  	v30 =	vmul.f32 v16, v36;
	v16 =	vor.u32 v28, v32;
	[tilespmem:v37+s24+$0x0] =	vst.idx.add.f32.msk $0xffff, v31;
	v31 =	vadd.s32 $0x7530, v15  }
0x1b2: {  	s10 =	sadd.s32 $0x20, s10;
	v14 =	vmov v36;
	v15 =	vmov v37;
	v28 =	vld.idx.msk [tilespmem:v38+s18+$0x0], $0xffff;
	v29 =	vand.u32 $0xFFF8, v31  }
0x1b3: {  	_ =	sdelay $0x2  }
0x1b4: {  	v31 =	vadd.s32 $0x2710, v15  }
0x1b5: {  	v13 =	vand.u32 $0x7, v13;
	[tilespmem:v20+s24+$0x0] =	vst.idx.add.f32.msk $0xffff, v30;
	v53 =	vadd.s32 $0x4E20, v12;
	v31 =	vand.u32 $0x7FF8, v31  }
0x1b6: {  	v20 =	vand.u32 $0x7FFF8, v53;
	v22 =	vld.idx.msk [tilespmem:v22+s18+$0x0], $0xffff;
	v54 =	vor.u32 v13, v31  }
0x1b7: {  	v20 =	vor.u32 v17, v20;
	_ =	sdelay $0x1  }
0x1b8: {  	v28 =	vmul.f32 v28, v21;
	_ =	sdelay $0x1  }
0x1b9: {  	v22 =	vmul.f32 v22, v14;
	[tilespmem:v54+s24+$0x0] =	vst.idx.add.f32.msk $0xffff, v28  }
0x1ba: {  	v55 =	vadd.s32 $0x4E20, v15;
	v20 =	vld.idx.msk [tilespmem:v20+s18+$0x0], $0xffff  }
0x1bb: {  	v56 =	vadd.s32 $0x7530, v12;
	v28 =	vand.u32 $0xFFF8, v55;
	[tilespmem:v18+s24+$0x0] =	vst.idx.add.f32.msk $0xffff, v22  }
0x1bc: {  	v12 =	vand.u32 $0x7FFF8, v56;
	v57 =	vor.u32 v13, v28;
	v19 =	vld.idx.msk [tilespmem:v19+s18+$0x0], $0xffff  }
0x1bd: {  	v58 =	vmul.f32 v26, v7;
	v12 =	vor.u32 v17, v12;
	_ =	sdelay $0x1  }
0x1be: {  	[tilespmem:v8+s24+$0x0] =	vst.idx.add.f32.msk $0xffff, v58;
	v59 =	vmul.f32 v20, v21  }
0x1bf: {  	v11 =	vld.idx.msk [tilespmem:v11+s18+$0x0], $0xffff  }
0x1c0: {  	v60 =	vmul.f32 v19, v14;
	[tilespmem:v57+s24+$0x0] =	vst.idx.add.f32.msk $0xffff, v59  }
0x1c1: {  	v10 =	vor.u32 v10, v29;
	v61 =	vadd.s32 $0x7530, v15;
	v12 =	vld.idx.msk [tilespmem:v12+s18+$0x0], $0xffff  }
0x1c2: {  	v15 =	vand.u32 $0xFFF8, v61;
	[tilespmem:v25+s24+$0x0] =	vst.idx.add.f32.msk $0xffff, v60  }
0x1c3: {  	v62 =	vor.u32 v13, v15;
	v63 =	vld.idx.msk [tilespmem:v24+s18+$0x0], $0xffff  }
0x1c4: {  	s30 =	sadd.s32 $0x1, s30;
	v6 =	vmul.f32 v27, v6  }
0x1c5: {  	p1 =	sne.s32 s30, $0x10  }
.Ltmp7:
0x1c6: {  	[tilespmem:v10+s24+$0x0] =	vst.idx.add.f32.msk $0xffff, v6;
	v6 =	vmul.f32 v12, v21;
	(pc) =	sbr.rel @p1 .LBB2_13-.Ltmp7, $4  }
0x1c7: {  	[tilespmem:v5+s24+$0x0] =	vst.idx.add.f32.msk $0xffff, v23;
	v5 =	vmul.f32 v11, v7  }
0x1c8: {  	[tilespmem:v62+s24+$0x0] =	vst.idx.add.f32.msk $0xffff, v6;
	v6 =	vmul.f32 v63, v14  }
0x1c9: {  	[tilespmem:v9+s24+$0x0] =	vst.idx.add.f32.msk $0xffff, v5  }
0x1ca: {  	[tilespmem:v16+s24+$0x0] =	vst.idx.add.f32.msk $0xffff, v6  }
0x1cb: {  	_ =	strace $0x9000004B;
	s28 =	sadd.s32 $0x1, s28  }
0x1cc: {  	s0 =	sadd.s32 s8, s29;
	_ =	strace $0x8000004C;
	p1 =	sne.s32 s28, $0x18  }
0x1cd: {  	[hbm4b:s0+s6] =	stream.linear.scatter [tilespmem:s24], [sflag:$0x3], $0x9C40, $0x200038;
	[tilespmem:$0x1E090] =	vst v63  }
.Ltmp8:
0x1ce: {  	_ =	swait.ge [sflag:s17], $0x9C40;
	(pc) =	sbr.rel @p1 .LBB2_2-.Ltmp8, $4  }
0x1cf: {  	[sflag:s17] =	ssyncset.done $0x0  }
0x1d0: {  	[sflag:s17] =	ssyncadd.s32 $0xFFFF63C0  }
0x1d1: {  	[bflag:$0x0] =	sbarrier.arrive $0xFFFF  }
0x1d2: {  	_ =	strace $0x9000004C  }
0x1d3: {  	s26 =	sadd.s32 $0x1, s26  }
0x1d4: {  	p1 =	sne.s32 s26, s14  }
.Ltmp9:
0x1d5: {  	_ = 	snop;
	(pc) =	sbr.rel @p1 .LBB2_1-.Ltmp9, $1  }
0x1d6: {  	_ =	sdelay $0x3  }
0x1d7: {  	_ =	sfence.sel $0x180000  }
0x1d8: {  	[bflag:$0x0] =	sbarrier.arrive $0xFFFF  }
0x1d9: {  	_ =	strace $0x90000047  }
0x1da: {  	s0 =	stileid.u32;
	[bflag:$0x2] =	sbarrier.arrive $0xFFFF  }
0x1db: {  	p0 =	sne.s32 s0, $0x0;
	s0 =	rddreg [dreg:$0x4]  }
0x1dc: {  	s0 =	sadd.s32 @!p0 $0x100000, s0  }
0x1dd: {  	[sflag:s0] =	ssyncadd.tile.s32 @!p0 $0x1;
	_ =	shalt  }
.Lfunc_end2:
_tile_overlayer_lowered:
.L_overlay_start_2:
0x1de: {  	(tag) =	ssettag $0x2  }
0x1df: {  	s0 =	rddreg [dreg:$0x0];
	s2 =	stileid.u32  }
0x1e0: {  	s1 =	rddreg [dreg:$0x1];
	p0 =	sne.s32 s2, $0x0  }
0x1e1: {  	s3 =	rddreg [dreg:$0x2];
	[bflag:$0x3] =	sbarrier.arrive $0xFFFF;
	s2 =	simm.s32 @!p0 $0x1C03  }
0x1e2: {  	[timem:s3], [sflag:s2] =	dma.local @!p0 [hbm:s0], s1  }
0x1e3: {  	s0 =	simm.s32 @!p0 $0x3  }
0x1e4: {  	_ =	swait.ge @!p0 [sflag:s0], s1  }
0x1e5: {  	s1 =	ssub.s32 @!p0 $0x0, s1;
	[sflag:s0] =	ssyncset.done @!p0 $0x0  }
0x1e6: {  	[sflag:s0] =	ssyncadd.s32 @!p0 s1  }
0x1e7: {  	[bflag:$0x3] =	sbarrier.arrive $0xFFFF  }
0x1e8: {  	_ =	shalt  }

</sc_bundles>
